<compile_context>
chip_gen: v7x
topology: tpu7x:2x2x1
jax: 0.10.2.dev20260603
libtpu: 0.0.44.dev20260713+nightly
codegen_flags: <defaults>
</compile_context>

<pallas_src>
import functools

import jax
import jax.numpy as jnp
from jax import lax
from jax.experimental import pallas as pl
from jax.experimental.pallas import tpu as pltpu
from jax.experimental.pallas import tpu_sc as plsc

ROUTED_SCALING = 2.5
BT = 256
NC, NS = 2, 16
NW = NC * NS
MAXB_PAD = 64


def _gate_body(x_ref, gw_ref, gb_ref, idx_ref, w_ref, bases_ref, meta_ref,
               cnt_ref):
    b = pl.program_id(0)
    nsteps = pl.num_programs(0)
    x = x_ref[...]
    B = x.shape[0]
    E = gw_ref.shape[0]

    @pl.when(b == 0)
    def _():
        cnt_ref[...] = jnp.zeros_like(cnt_ref)

    logits = lax.dot_general(x, gw_ref[...], (((1,), (1,)), ((), ())),
                             preferred_element_type=jnp.float32)
    scores = 1.0 / (1.0 + jnp.exp(-logits))
    sc = scores + gb_ref[...]
    l16 = lax.broadcasted_iota(jnp.int32, (B, E), 1)
    grp = l16 // 4
    NEGF = jnp.float32(-1e30)
    gcol = []
    for g in range(4):
        vg = jnp.where(grp == g, sc, NEGF)
        m1 = jnp.max(vg, axis=1, keepdims=True)
        am1 = jnp.min(jnp.where(vg == m1, l16, 99), axis=1, keepdims=True)
        m2 = jnp.max(jnp.where(l16 == am1, NEGF, vg), axis=1, keepdims=True)
        gcol.append(m1 + m2)
    M1 = jnp.maximum(jnp.maximum(gcol[0], gcol[1]),
                     jnp.maximum(gcol[2], gcol[3]))
    g1 = jnp.where(gcol[0] == M1, 0,
                   jnp.where(gcol[1] == M1, 1,
                             jnp.where(gcol[2] == M1, 2, 3)))
    mcol = [jnp.where(g1 == g, NEGF, gcol[g]) for g in range(4)]
    M2 = jnp.maximum(jnp.maximum(mcol[0], mcol[1]),
                     jnp.maximum(mcol[2], mcol[3]))
    g2 = jnp.where(mcol[0] == M2, 0,
                   jnp.where(mcol[1] == M2, 1,
                             jnp.where(mcol[2] == M2, 2, 3)))
    emask = (grp == g1) | (grp == g2)
    masked = jnp.where(emask, sc, 0.0)
    E1 = jnp.max(masked, axis=1, keepdims=True)
    e1 = jnp.min(jnp.where(masked == E1, l16, 99), axis=1, keepdims=True)
    masked2 = jnp.where(l16 == e1, NEGF, masked)
    E2 = jnp.max(masked2, axis=1, keepdims=True)
    e2 = jnp.min(jnp.where(masked2 == E2, l16, 99), axis=1, keepdims=True)
    w1v = jnp.sum(jnp.where(l16 == e1, scores, 0.0), axis=1, keepdims=True)
    w2v = jnp.sum(jnp.where(l16 == e2, scores, 0.0), axis=1, keepdims=True)
    den = w1v + w2v + 1e-20
    l2 = lax.broadcasted_iota(jnp.int32, (B, 2), 1)
    idx_ref[...] = jnp.where(l2 == 0, jnp.broadcast_to(e1, (B, 2)),
                             jnp.broadcast_to(e2, (B, 2)))
    w_ref[...] = jnp.where(l2 == 0,
                           jnp.broadcast_to(w1v / den, (B, 2)),
                           jnp.broadcast_to(w2v / den, (B, 2))) * ROUTED_SCALING
    oh = ((l16 == e1) | (l16 == e2)).astype(jnp.float32)
    cnt_ref[...] = cnt_ref[...] + jnp.sum(oh, axis=0, keepdims=True)

    @pl.when(b == nsteps - 1)
    def _():
        counts = cnt_ref[...]
        nb = jnp.floor((counts + (BT - 1)) * (1.0 / BT))
        r16 = lax.broadcasted_iota(jnp.int32, (E, E), 0)
        c16 = lax.broadcasted_iota(jnp.int32, (E, E), 1)
        upper = (r16 <= c16).astype(jnp.float32)
        incl = lax.dot_general(nb, upper, (((1,), (0,)), ((), ())),
                               preferred_element_type=jnp.float32)
        bstart = incl - nb
        bases_ref[...] = bstart * BT
        nvalid = jnp.sum(nb, axis=1, keepdims=True)
        eye = (r16 == c16).astype(jnp.float32)
        bstart_col = lax.dot_general(eye, bstart, (((1,), (1,)), ((), ())),
                                     preferred_element_type=jnp.float32)
        iota_b = lax.broadcasted_iota(
            jnp.int32, (E, MAXB_PAD), 1).astype(jnp.float32)
        ind = (iota_b >= bstart_col).astype(jnp.float32)
        ones = jnp.ones((1, E), jnp.float32)
        be = lax.dot_general(ones, ind, (((1,), (0,)), ((), ())),
                             preferred_element_type=jnp.float32) - 1.0
        belast = jnp.sum((bstart < nvalid).astype(jnp.float32),
                         axis=1, keepdims=True) - 1.0
        be = jnp.minimum(be, belast)
        l64 = lax.broadcasted_iota(jnp.int32, (1, MAXB_PAD), 1)
        meta_ref[...] = jnp.where(
            l64 == 48, jnp.broadcast_to(nvalid, (1, MAXB_PAD)),
            be).astype(jnp.int32)


def _gate_call(x, gate_w, gate_bias):
    T, D = x.shape
    E = gate_w.shape[0]
    B1 = 512
    return pl.pallas_call(
        _gate_body,
        grid=(T // B1,),
        in_specs=[
            pl.BlockSpec((B1, D), lambda b: (b, 0)),
            pl.BlockSpec((E, D), lambda b: (0, 0)),
            pl.BlockSpec((1, E), lambda b: (0, 0)),
        ],
        out_specs=[
            pl.BlockSpec((B1, 2), lambda b: (b, 0)),
            pl.BlockSpec((B1, 2), lambda b: (b, 0)),
            pl.BlockSpec((1, E), lambda b: (0, 0)),
            pl.BlockSpec((1, MAXB_PAD), lambda b: (0, 0)),
        ],
        out_shape=[
            jax.ShapeDtypeStruct((T, 2), jnp.int32),
            jax.ShapeDtypeStruct((T, 2), jnp.float32),
            jax.ShapeDtypeStruct((1, E), jnp.float32),
            jax.ShapeDtypeStruct((1, MAXB_PAD), jnp.int32),
        ],
        scratch_shapes=[pltpu.VMEM((1, E), jnp.float32)],
    )(x, gate_w, gate_bias)


def _slot_body(ti_ref, bases_ref, s0_ref, cnt_ref):
    b = pl.program_id(0)
    B = ti_ref.shape[0]
    E = bases_ref.shape[1]

    @pl.when(b == 0)
    def _():
        cnt_ref[...] = jnp.zeros_like(cnt_ref)

    le = lax.broadcasted_iota(jnp.int32, (B, E), 1)
    rr = lax.broadcasted_iota(jnp.int32, (B, B), 0)
    cc = lax.broadcasted_iota(jnp.int32, (B, B), 1)
    ltri = (cc < rr).astype(jnp.float32)
    bases = bases_ref[...]
    oh0 = (ti_ref[:, 0:1] == le).astype(jnp.float32)
    oh1 = (ti_ref[:, 1:2] == le).astype(jnp.float32)
    pref0 = lax.dot_general(ltri, oh0, (((1,), (0,)), ((), ())),
                            preferred_element_type=jnp.float32) + cnt_ref[...]
    s0 = jnp.sum((pref0 + bases) * oh0, axis=1, keepdims=True)
    cnt1 = cnt_ref[...] + jnp.sum(oh0, axis=0, keepdims=True)
    pref1 = lax.dot_general(ltri, oh1, (((1,), (0,)), ((), ())),
                            preferred_element_type=jnp.float32) + cnt1
    s1 = jnp.sum((pref1 + bases) * oh1, axis=1, keepdims=True)
    cnt_ref[...] = cnt1 + jnp.sum(oh1, axis=0, keepdims=True)
    s0_ref[0] = s0.astype(jnp.int32)
    s0_ref[1] = s1.astype(jnp.int32)


def _slot_call(ti, bases):
    T = ti.shape[0]
    E = bases.shape[1]
    B1 = 256
    return pl.pallas_call(
        _slot_body,
        grid=(T // B1,),
        in_specs=[
            pl.BlockSpec((B1, 2), lambda b: (b, 0)),
            pl.BlockSpec((1, E), lambda b: (0, 0)),
        ],
        out_specs=pl.BlockSpec((2, B1, 1), lambda b: (0, b, 0)),
        out_shape=jax.ShapeDtypeStruct((2, T, 1), jnp.int32),
        scratch_shapes=[pltpu.VMEM((1, E), jnp.float32)],
    )(ti, bases)


def _scatter_rows(x, slots, S):
    T, D = x.shape
    t_per_w = T // NW
    mesh = plsc.VectorSubcoreMesh(core_axis_name="c", subcore_axis_name="s")

    @functools.partial(
        pl.kernel, mesh=mesh,
        out_type=jax.ShapeDtypeStruct((S, D), jnp.float32),
        scratch_types=[
            pltpu.VMEM((t_per_w,), jnp.int32),
            pltpu.VMEM((t_per_w,), jnp.int32),
            pltpu.VMEM((t_per_w, D), jnp.float32),
            pltpu.SemaphoreType.DMA,
        ],
    )
    def k(x_hbm, i0_hbm, i1_hbm, out_hbm, i0_v, i1_v, rows_v, sem):
        wid = lax.axis_index("s") * NC + lax.axis_index("c")
        base = wid * t_per_w
        pltpu.sync_copy(x_hbm.at[pl.ds(base, t_per_w)], rows_v)
        pltpu.sync_copy(i0_hbm.at[wid], i0_v)
        pltpu.sync_copy(i1_hbm.at[wid], i1_v)
        pltpu.async_copy(rows_v, out_hbm.at[i0_v], sem)
        pltpu.async_copy(rows_v, out_hbm.at[i1_v], sem)
        pltpu.make_async_copy(rows_v, out_hbm.at[i0_v], sem).wait()
        pltpu.make_async_copy(rows_v, out_hbm.at[i1_v], sem).wait()

    return k(x, slots[0].reshape(NW, t_per_w), slots[1].reshape(NW, t_per_w))


def _gather_rows(table, slots, chunk):
    K, T, _ = slots.shape
    B = K * T
    D = table.shape[1]
    b_per_w = B // NW
    nch = b_per_w // chunk
    mesh = plsc.VectorSubcoreMesh(core_axis_name="c", subcore_axis_name="s")

    @functools.partial(
        pl.kernel, mesh=mesh,
        out_type=jax.ShapeDtypeStruct((B, D), jnp.float32),
        scratch_types=[
            pltpu.VMEM((chunk,), jnp.int32),
            pltpu.VMEM((chunk, D), jnp.float32),
            pltpu.SemaphoreType.DMA,
        ],
    )
    def k(table_hbm, idx_hbm, out_hbm, idx_v, rows_v, sem):
        wid = lax.axis_index("s") * NC + lax.axis_index("c")
        base = wid * b_per_w
        for i in range(nch):
            off = base + i * chunk
            pltpu.sync_copy(idx_hbm.at[pl.ds(off, chunk)], idx_v)
            pltpu.async_copy(table_hbm.at[idx_v], rows_v, sem).wait()
            pltpu.sync_copy(rows_v, out_hbm.at[pl.ds(off, chunk)])

    return k(table, slots.reshape(K * T))


def _expert_body(meta_ref, xs_ref, w1_ref, w2_ref, ys_ref):
    b = pl.program_id(0)
    nvalid = meta_ref[0, 48]

    @pl.when(b < nvalid)
    def _():
        h = lax.dot_general(xs_ref[...], w1_ref[0], (((1,), (1,)), ((), ())),
                            preferred_element_type=jnp.float32)
        h = jnp.maximum(h, 0.0)
        h = h * h
        ys_ref[...] = lax.dot_general(h, w2_ref[0], (((1,), (1,)), ((), ())),
                                      preferred_element_type=jnp.float32)


def _expert_call(meta, xs, w1, w2, maxb):
    S, D = xs.shape
    E, I, _ = w1.shape
    grid_spec = pltpu.PrefetchScalarGridSpec(
        num_scalar_prefetch=1,
        grid=(maxb,),
        in_specs=[
            pl.BlockSpec((BT, D),
                         lambda b, m: (jnp.minimum(b, m[0, 48] - 1), 0)),
            pl.BlockSpec((1, I, D), lambda b, m: (m[0, b], 0, 0)),
            pl.BlockSpec((1, D, I), lambda b, m: (m[0, b], 0, 0)),
        ],
        out_specs=pl.BlockSpec((BT, D),
                               lambda b, m: (jnp.minimum(b, m[0, 48] - 1), 0)),
    )
    return pl.pallas_call(
        _expert_body,
        grid_spec=grid_spec,
        out_shape=jax.ShapeDtypeStruct((S, D), jnp.float32),
    )(meta, xs, w1, w2)


def _shared_body(x_ref, sw1_ref, sw2_ref, sh_ref):
    h = lax.dot_general(x_ref[...], sw1_ref[...], (((1,), (1,)), ((), ())),
                        preferred_element_type=jnp.float32)
    h = jnp.maximum(h, 0.0)
    h = h * h
    sh_ref[...] = lax.dot_general(h, sw2_ref[...], (((1,), (1,)), ((), ())),
                                  preferred_element_type=jnp.float32)


def _shared_call(x, shared_w1, shared_w2):
    T, D = x.shape
    SI = shared_w1.shape[0]
    B1 = 256
    return pl.pallas_call(
        _shared_body,
        grid=(T // B1,),
        in_specs=[
            pl.BlockSpec((B1, D), lambda b: (b, 0)),
            pl.BlockSpec((SI, D), lambda b: (0, 0)),
            pl.BlockSpec((D, SI), lambda b: (0, 0)),
        ],
        out_specs=pl.BlockSpec((B1, D), lambda b: (b, 0)),
        out_shape=jax.ShapeDtypeStruct((T, D), jnp.float32),
    )(x, shared_w1, shared_w2)


def _combine_body(sh_ref, y0_ref, y1_ref, tw_ref, o_ref):
    w = tw_ref[...]
    o_ref[...] = (sh_ref[...] + w[:, 0:1] * y0_ref[...]
                  + w[:, 1:2] * y1_ref[...])


def _combine_call(sh, yg, tw):
    T, D = sh.shape
    nb = T // BT
    return pl.pallas_call(
        _combine_body,
        grid=(nb,),
        in_specs=[
            pl.BlockSpec((BT, D), lambda b: (b, 0)),
            pl.BlockSpec((BT, D), lambda b: (b, 0)),
            pl.BlockSpec((BT, D), lambda b: (b + nb, 0)),
            pl.BlockSpec((BT, 2), lambda b: (b, 0)),
        ],
        out_specs=pl.BlockSpec((BT, D), lambda b: (b, 0)),
        out_shape=jax.ShapeDtypeStruct((T, D), jnp.float32),
    )(sh, yg, yg, tw)


def kernel(hidden_states, gate_w, gate_bias, w1, w2, shared_w1, shared_w2):
    x = hidden_states
    T, D = x.shape
    E = gate_w.shape[0]
    P = 2 * T
    maxb = P // BT + E
    S = maxb * BT

    ti, tw, bases, meta = _gate_call(x, gate_w, gate_bias.reshape(1, E))
    slots = _slot_call(ti, bases)

    xs = _scatter_rows(x, slots, S)
    sh = _shared_call(x, shared_w1, shared_w2)
    ys = _expert_call(meta, xs, w1, w2, maxb)
    yg = _gather_rows(ys, slots, 64)

    return _combine_call(sh, yg, tw)

# --- scband reference (transcript-rebuilt; emitter-appended) ---
"""Pipeline reference for scband-nemotron-hmoe-12481174962825 (READ-ONLY COPY).

The authoritative reference and input builder live on the scoring server;
editing this copy changes nothing except your own understanding.
"""

import jax, jax.numpy as jnp
import numpy as np

TOP_K = 2
N_GROUP = 4
TOPK_GROUP = 2
ROUTED_SCALING = 2.5


def setup_inputs(seed: int = 0) -> dict:
    key = jax.random.key(seed)
    ks = jax.random.split(key, 8)
    T, D, E, I = 2048, 1024, 16, 512
    SI = 2 * 512  # n_shared_experts * moe_shared_expert_intermediate_size
    return {
        "hidden_states": jax.random.normal(ks[0], (T, D), dtype=jnp.float32),
        "gate_w": jax.random.normal(ks[1], (E, D), dtype=jnp.float32) * 0.02,
        "gate_bias": jax.random.normal(ks[2], (E,), dtype=jnp.float32) * 0.02,
        "w1": jax.random.normal(ks[3], (E, I, D), dtype=jnp.float32) * 0.02,
        "w2": jax.random.normal(ks[4], (E, D, I), dtype=jnp.float32) * 0.02,
        "shared_w1": jax.random.normal(ks[5], (SI, D), dtype=jnp.float32) * 0.02,
        "shared_w2": jax.random.normal(ks[6], (D, SI), dtype=jnp.float32) * 0.02,
    }


def _relu2(x):
    r = jax.nn.relu(x)
    return r * r


def _forward(hidden_states, gate_w, gate_bias, w1, w2, shared_w1, shared_w2):
    x = hidden_states
    T, D = x.shape
    E = gate_w.shape[0]
    # --- DeepseekV3Gate (noaux_tc routing) ---
    logits = jnp.dot(x.astype(jnp.float32), gate_w.T.astype(jnp.float32))
    scores = jax.nn.sigmoid(logits)
    scores_for_choice = scores + gate_bias[None, :]
    grp = scores_for_choice.reshape(T, N_GROUP, E // N_GROUP)
    top2_vals, _ = jax.lax.top_k(grp, 2)
    group_scores = top2_vals.sum(-1)  # [T, N_GROUP]
    _, group_idx = jax.lax.top_k(group_scores, TOPK_GROUP)
    group_mask = jnp.zeros((T, N_GROUP), dtype=scores.dtype).at[
        jnp.arange(T)[:, None], group_idx
    ].set(1.0)
    expert_mask = jnp.repeat(group_mask, E // N_GROUP, axis=1)  # [T, E]
    masked_scores = jnp.where(expert_mask > 0, scores_for_choice, 0.0)
    _, topk_idx = jax.lax.top_k(masked_scores, TOP_K)
    topk_weight = jnp.take_along_axis(scores, topk_idx, axis=1)
    topk_weight = topk_weight / (topk_weight.sum(-1, keepdims=True) + 1e-20)
    topk_weight = topk_weight * ROUTED_SCALING
    # --- routed experts (relu2 MLP per expert, combined with routing weights) ---
    combine = jnp.zeros((T, E), dtype=x.dtype).at[
        jnp.arange(T)[:, None], topk_idx
    ].add(topk_weight.astype(x.dtype))  # scatter-add combine weights
    h = jnp.einsum('td,eid->tei', x, w1)
    h = _relu2(h)
    y = jnp.einsum('tei,edi->ted', h, w2)
    routed = jnp.einsum('te,ted->td', combine, y)
    # --- shared experts (relu2 MLP) ---
    s = _relu2(jnp.dot(x, shared_w1.T))
    shared = jnp.dot(s, shared_w2.T)
    return shared + routed


def reference(hidden_states, gate_w, gate_bias, w1, w2, shared_w1, shared_w2):
    return _forward(hidden_states, gate_w, gate_bias, w1, w2, shared_w1, shared_w2)

if __name__ == "__main__":
    import jax
    _d = setup_inputs()
    print(jax.jit(kernel)(*tuple(_d.values())))

</pallas_src>

<mosaic_0001>
#map = affine_map<(d0, d1) -> (0, 0)>
#map1 = affine_map<(d0, d1) -> (0)>
module attributes {stable_mosaic.version = 14 : i64} {
  func.func @k(%arg0: i32, %arg1: i32, %arg2: memref<8192x1024xf32, #tpu.memory_space<hbm>>, %arg3: memref<4096xi32, #tpu.memory_space<hbm>>, %arg4: memref<4096x1024xf32, #tpu.memory_space<hbm>>, %arg5: memref<64xi32, #tpu.memory_space<vmem>>, %arg6: memref<64x1024xf32, #tpu.memory_space<vmem>>, %arg7: memref<!tpu.dma_semaphore, #tpu.memory_space<semaphore_mem>>) attributes {dimension_semantics = [#tpu.dimension_semantics<core_parallel>, #tpu.dimension_semantics<subcore_parallel>], iteration_bounds = array<i64: 2, 16>, scalar_prefetch = 0 : i64, scratch_operands = 3 : i64, tpu.core_type = #tpu.core_type<sc_vector_subcore>, window_params = [{transform_indices = #map}, {transform_indices = #map1}, {transform_indices = #map}]} {
    %mul3A = arith.constant 2 : i32
    %mul3A_0 = arith.muli %arg1, %mul3A : i32
    %add3A = arith.addi %mul3A_0, %arg0 : i32
    %mul3A_1 = arith.constant 128 : i32
    %mul3A_2 = arith.muli %add3A, %mul3A_1 : i32
    %add3A_3 = arith.constant 0 : i32
    %add3A_4 = arith.addi %mul3A_2, %add3A_3 : i32
    "tpu.region"() ({
      %run_scoped3A = tpu.sem_alloc : memref<!tpu.dma_semaphore, #tpu.memory_space<semaphore_mem>>
      %dma_start3A_17 = tpu.memref_slice %arg3[%add3A_4] : memref<4096xi32, #tpu.memory_space<hbm>> -> memref<64xi32, #tpu.memory_space<hbm>>
      %dma_start3A_18 = tpu.memref_slice %arg3[%add3A_4] : memref<4096xi32, #tpu.memory_space<hbm>> -> memref<64xi32, #tpu.memory_space<hbm>>
      tpu.enqueue_dma source(%dma_start3A_18 : memref<64xi32, #tpu.memory_space<hbm>>) target(%arg5 : memref<64xi32, #tpu.memory_space<vmem>>) target_semaphore(%run_scoped3A : memref<!tpu.dma_semaphore, #tpu.memory_space<semaphore_mem>>)
      %dma_wait3A_19 = tpu.memref_slice %arg3[%add3A_4] : memref<4096xi32, #tpu.memory_space<hbm>> -> memref<64xi32, #tpu.memory_space<hbm>>
      %dma_wait3A_20 = tpu.memref_slice %arg3[%add3A_4] : memref<4096xi32, #tpu.memory_space<hbm>> -> memref<64xi32, #tpu.memory_space<hbm>>
      tpu.wait_dma2 semaphore(%run_scoped3A : memref<!tpu.dma_semaphore, #tpu.memory_space<semaphore_mem>>) src(%dma_wait3A_20 : memref<64xi32, #tpu.memory_space<hbm>>) dst(%arg5 : memref<64xi32, #tpu.memory_space<vmem>>)
      tpu.yield
    }) : () -> ()
    %dma_start3A = arith.constant 0 : i32
    %dma_start3A_5 = arith.constant 0 : i32
    %dma_start3A_6 = tpu.memref_slice %arg2[%dma_start3A, %dma_start3A_5] : memref<8192x1024xf32, #tpu.memory_space<hbm>> -> memref<8192x1024xf32, #tpu.memory_space<hbm>>
    tpu.enqueue_indirect_dma source(%dma_start3A_6 : memref<8192x1024xf32, #tpu.memory_space<hbm>>) target(%arg6 : memref<64x1024xf32, #tpu.memory_space<vmem>>) offsets(%arg5 : memref<64xi32, #tpu.memory_space<vmem>>) semaphore(%arg7 : memref<!tpu.dma_semaphore, #tpu.memory_space<semaphore_mem>>)
    %dma_wait3A = arith.constant 0 : i32
    %dma_wait3A_7 = arith.constant 0 : i32
    %dma_wait3A_8 = tpu.memref_slice %arg2[%dma_wait3A, %dma_wait3A_7] : memref<8192x1024xf32, #tpu.memory_space<hbm>> -> memref<8192x1024xf32, #tpu.memory_space<hbm>>
    tpu.wait_indirect_dma semaphore(%arg7 : memref<!tpu.dma_semaphore, #tpu.memory_space<semaphore_mem>>) src(%dma_wait3A_8 : memref<8192x1024xf32, #tpu.memory_space<hbm>>) dst(%arg6 : memref<64x1024xf32, #tpu.memory_space<vmem>>)
    "tpu.region"() ({
      %run_scoped3A = tpu.sem_alloc : memref<!tpu.dma_semaphore, #tpu.memory_space<semaphore_mem>>
      %dma_start3A_17 = arith.constant 0 : i32
      %dma_start3A_18 = tpu.memref_slice %arg4[%add3A_4, %dma_start3A_17] : memref<4096x1024xf32, #tpu.memory_space<hbm>> -> memref<64x1024xf32, #tpu.memory_space<hbm>>
      %dma_start3A_19 = arith.constant 0 : i32
      %dma_start3A_20 = tpu.memref_slice %arg4[%add3A_4, %dma_start3A_19] : memref<4096x1024xf32, #tpu.memory_space<hbm>> -> memref<64x1024xf32, #tpu.memory_space<hbm>>
      tpu.enqueue_dma source(%arg6 : memref<64x1024xf32, #tpu.memory_space<vmem>>) target(%dma_start3A_20 : memref<64x1024xf32, #tpu.memory_space<hbm>>) target_semaphore(%run_scoped3A : memref<!tpu.dma_semaphore, #tpu.memory_space<semaphore_mem>>)
      %dma_wait3A_21 = arith.constant 0 : i32
      %dma_wait3A_22 = tpu.memref_slice %arg4[%add3A_4, %dma_wait3A_21] : memref<4096x1024xf32, #tpu.memory_space<hbm>> -> memref<64x1024xf32, #tpu.memory_space<hbm>>
      %dma_wait3A_23 = arith.constant 0 : i32
      %dma_wait3A_24 = tpu.memref_slice %arg4[%add3A_4, %dma_wait3A_23] : memref<4096x1024xf32, #tpu.memory_space<hbm>> -> memref<64x1024xf32, #tpu.memory_space<hbm>>
      tpu.wait_dma2 semaphore(%run_scoped3A : memref<!tpu.dma_semaphore, #tpu.memory_space<semaphore_mem>>) src(%arg6 : memref<64x1024xf32, #tpu.memory_space<vmem>>) dst(%dma_wait3A_24 : memref<64x1024xf32, #tpu.memory_space<hbm>>)
      tpu.yield
    }) : () -> ()
    %add3A_9 = arith.constant 64 : i32
    %add3A_10 = arith.addi %mul3A_2, %add3A_9 : i32
    "tpu.region"() ({
      %run_scoped3A = tpu.sem_alloc : memref<!tpu.dma_semaphore, #tpu.memory_space<semaphore_mem>>
      %dma_start3A_17 = tpu.memref_slice %arg3[%add3A_10] : memref<4096xi32, #tpu.memory_space<hbm>> -> memref<64xi32, #tpu.memory_space<hbm>>
      %dma_start3A_18 = tpu.memref_slice %arg3[%add3A_10] : memref<4096xi32, #tpu.memory_space<hbm>> -> memref<64xi32, #tpu.memory_space<hbm>>
      tpu.enqueue_dma source(%dma_start3A_18 : memref<64xi32, #tpu.memory_space<hbm>>) target(%arg5 : memref<64xi32, #tpu.memory_space<vmem>>) target_semaphore(%run_scoped3A : memref<!tpu.dma_semaphore, #tpu.memory_space<semaphore_mem>>)
      %dma_wait3A_19 = tpu.memref_slice %arg3[%add3A_10] : memref<4096xi32, #tpu.memory_space<hbm>> -> memref<64xi32, #tpu.memory_space<hbm>>
      %dma_wait3A_20 = tpu.memref_slice %arg3[%add3A_10] : memref<4096xi32, #tpu.memory_space<hbm>> -> memref<64xi32, #tpu.memory_space<hbm>>
      tpu.wait_dma2 semaphore(%run_scoped3A : memref<!tpu.dma_semaphore, #tpu.memory_space<semaphore_mem>>) src(%dma_wait3A_20 : memref<64xi32, #tpu.memory_space<hbm>>) dst(%arg5 : memref<64xi32, #tpu.memory_space<vmem>>)
      tpu.yield
    }) : () -> ()
    %dma_start3A_11 = arith.constant 0 : i32
    %dma_start3A_12 = arith.constant 0 : i32
    %dma_start3A_13 = tpu.memref_slice %arg2[%dma_start3A_11, %dma_start3A_12] : memref<8192x1024xf32, #tpu.memory_space<hbm>> -> memref<8192x1024xf32, #tpu.memory_space<hbm>>
    tpu.enqueue_indirect_dma source(%dma_start3A_13 : memref<8192x1024xf32, #tpu.memory_space<hbm>>) target(%arg6 : memref<64x1024xf32, #tpu.memory_space<vmem>>) offsets(%arg5 : memref<64xi32, #tpu.memory_space<vmem>>) semaphore(%arg7 : memref<!tpu.dma_semaphore, #tpu.memory_space<semaphore_mem>>)
    %dma_wait3A_14 = arith.constant 0 : i32
    %dma_wait3A_15 = arith.constant 0 : i32
    %dma_wait3A_16 = tpu.memref_slice %arg2[%dma_wait3A_14, %dma_wait3A_15] : memref<8192x1024xf32, #tpu.memory_space<hbm>> -> memref<8192x1024xf32, #tpu.memory_space<hbm>>
    tpu.wait_indirect_dma semaphore(%arg7 : memref<!tpu.dma_semaphore, #tpu.memory_space<semaphore_mem>>) src(%dma_wait3A_16 : memref<8192x1024xf32, #tpu.memory_space<hbm>>) dst(%arg6 : memref<64x1024xf32, #tpu.memory_space<vmem>>)
    "tpu.region"() ({
      %run_scoped3A = tpu.sem_alloc : memref<!tpu.dma_semaphore, #tpu.memory_space<semaphore_mem>>
      %dma_start3A_17 = arith.constant 0 : i32
      %dma_start3A_18 = tpu.memref_slice %arg4[%add3A_10, %dma_start3A_17] : memref<4096x1024xf32, #tpu.memory_space<hbm>> -> memref<64x1024xf32, #tpu.memory_space<hbm>>
      %dma_start3A_19 = arith.constant 0 : i32
      %dma_start3A_20 = tpu.memref_slice %arg4[%add3A_10, %dma_start3A_19] : memref<4096x1024xf32, #tpu.memory_space<hbm>> -> memref<64x1024xf32, #tpu.memory_space<hbm>>
      tpu.enqueue_dma source(%arg6 : memref<64x1024xf32, #tpu.memory_space<vmem>>) target(%dma_start3A_20 : memref<64x1024xf32, #tpu.memory_space<hbm>>) target_semaphore(%run_scoped3A : memref<!tpu.dma_semaphore, #tpu.memory_space<semaphore_mem>>)
      %dma_wait3A_21 = arith.constant 0 : i32
      %dma_wait3A_22 = tpu.memref_slice %arg4[%add3A_10, %dma_wait3A_21] : memref<4096x1024xf32, #tpu.memory_space<hbm>> -> memref<64x1024xf32, #tpu.memory_space<hbm>>
      %dma_wait3A_23 = arith.constant 0 : i32
      %dma_wait3A_24 = tpu.memref_slice %arg4[%add3A_10, %dma_wait3A_23] : memref<4096x1024xf32, #tpu.memory_space<hbm>> -> memref<64x1024xf32, #tpu.memory_space<hbm>>
      tpu.wait_dma2 semaphore(%run_scoped3A : memref<!tpu.dma_semaphore, #tpu.memory_space<semaphore_mem>>) src(%arg6 : memref<64x1024xf32, #tpu.memory_space<vmem>>) dst(%dma_wait3A_24 : memref<64x1024xf32, #tpu.memory_space<hbm>>)
      tpu.yield
    }) : () -> ()
    return
  }
}

#map = affine_map<(d0, d1) -> (0, 0)>
module attributes {stable_mosaic.version = 14 : i64} {
  func.func @k(%arg0: i32, %arg1: i32, %arg2: memref<2048x1024xf32, #tpu.memory_space<hbm>>, %arg3: memref<32x64xi32, #tpu.memory_space<hbm>>, %arg4: memref<32x64xi32, #tpu.memory_space<hbm>>, %arg5: memref<8192x1024xf32, #tpu.memory_space<hbm>>, %arg6: memref<64xi32, #tpu.memory_space<vmem>>, %arg7: memref<64xi32, #tpu.memory_space<vmem>>, %arg8: memref<64x1024xf32, #tpu.memory_space<vmem>>, %arg9: memref<!tpu.dma_semaphore, #tpu.memory_space<semaphore_mem>>) attributes {dimension_semantics = [#tpu.dimension_semantics<core_parallel>, #tpu.dimension_semantics<subcore_parallel>], iteration_bounds = array<i64: 2, 16>, scalar_prefetch = 0 : i64, scratch_operands = 4 : i64, tpu.core_type = #tpu.core_type<sc_vector_subcore>, window_params = [{transform_indices = #map}, {transform_indices = #map}, {transform_indices = #map}, {transform_indices = #map}]} {
    %mul3A = arith.constant 2 : i32
    %mul3A_0 = arith.muli %arg1, %mul3A : i32
    %add3A = arith.addi %mul3A_0, %arg0 : i32
    %mul3A_1 = arith.constant 64 : i32
    %mul3A_2 = arith.muli %add3A, %mul3A_1 : i32
    "tpu.region"() ({
      %run_scoped3A = tpu.sem_alloc : memref<!tpu.dma_semaphore, #tpu.memory_space<semaphore_mem>>
      %dma_start3A_13 = arith.constant 0 : i32
      %dma_start3A_14 = tpu.memref_slice %arg2[%mul3A_2, %dma_start3A_13] : memref<2048x1024xf32, #tpu.memory_space<hbm>> -> memref<64x1024xf32, #tpu.memory_space<hbm>>
      %dma_start3A_15 = arith.constant 0 : i32
      %dma_start3A_16 = tpu.memref_slice %arg2[%mul3A_2, %dma_start3A_15] : memref<2048x1024xf32, #tpu.memory_space<hbm>> -> memref<64x1024xf32, #tpu.memory_space<hbm>>
      tpu.enqueue_dma source(%dma_start3A_16 : memref<64x1024xf32, #tpu.memory_space<hbm>>) target(%arg8 : memref<64x1024xf32, #tpu.memory_space<vmem>>) target_semaphore(%run_scoped3A : memref<!tpu.dma_semaphore, #tpu.memory_space<semaphore_mem>>)
      %dma_wait3A_17 = arith.constant 0 : i32
      %dma_wait3A_18 = tpu.memref_slice %arg2[%mul3A_2, %dma_wait3A_17] : memref<2048x1024xf32, #tpu.memory_space<hbm>> -> memref<64x1024xf32, #tpu.memory_space<hbm>>
      %dma_wait3A_19 = arith.constant 0 : i32
      %dma_wait3A_20 = tpu.memref_slice %arg2[%mul3A_2, %dma_wait3A_19] : memref<2048x1024xf32, #tpu.memory_space<hbm>> -> memref<64x1024xf32, #tpu.memory_space<hbm>>
      tpu.wait_dma2 semaphore(%run_scoped3A : memref<!tpu.dma_semaphore, #tpu.memory_space<semaphore_mem>>) src(%dma_wait3A_20 : memref<64x1024xf32, #tpu.memory_space<hbm>>) dst(%arg8 : memref<64x1024xf32, #tpu.memory_space<vmem>>)
      tpu.yield
    }) : () -> ()
    "tpu.region"() ({
      %run_scoped3A = tpu.sem_alloc : memref<!tpu.dma_semaphore, #tpu.memory_space<semaphore_mem>>
      %dma_start3A_13 = arith.constant 0 : i32
      %dma_start3A_14 = tpu.memref_slice %arg3[%add3A, %dma_start3A_13] : memref<32x64xi32, #tpu.memory_space<hbm>> -> memref<1x64xi32, #tpu.memory_space<hbm>>
      %dma_start3A_15 = tpu.memref_squeeze %dma_start3A_14 : memref<1x64xi32, #tpu.memory_space<hbm>> -> memref<64xi32, #tpu.memory_space<hbm>>
      %dma_start3A_16 = arith.constant 0 : i32
      %dma_start3A_17 = tpu.memref_slice %arg3[%add3A, %dma_start3A_16] : memref<32x64xi32, #tpu.memory_space<hbm>> -> memref<1x64xi32, #tpu.memory_space<hbm>>
      %dma_start3A_18 = tpu.memref_squeeze %dma_start3A_17 : memref<1x64xi32, #tpu.memory_space<hbm>> -> memref<64xi32, #tpu.memory_space<hbm>>
      tpu.enqueue_dma source(%dma_start3A_18 : memref<64xi32, #tpu.memory_space<hbm>>) target(%arg6 : memref<64xi32, #tpu.memory_space<vmem>>) target_semaphore(%run_scoped3A : memref<!tpu.dma_semaphore, #tpu.memory_space<semaphore_mem>>)
      %dma_wait3A_19 = arith.constant 0 : i32
      %dma_wait3A_20 = tpu.memref_slice %arg3[%add3A, %dma_wait3A_19] : memref<32x64xi32, #tpu.memory_space<hbm>> -> memref<1x64xi32, #tpu.memory_space<hbm>>
      %dma_wait3A_21 = tpu.memref_squeeze %dma_wait3A_20 : memref<1x64xi32, #tpu.memory_space<hbm>> -> memref<64xi32, #tpu.memory_space<hbm>>
      %dma_wait3A_22 = arith.constant 0 : i32
      %dma_wait3A_23 = tpu.memref_slice %arg3[%add3A, %dma_wait3A_22] : memref<32x64xi32, #tpu.memory_space<hbm>> -> memref<1x64xi32, #tpu.memory_space<hbm>>
      %dma_wait3A_24 = tpu.memref_squeeze %dma_wait3A_23 : memref<1x64xi32, #tpu.memory_space<hbm>> -> memref<64xi32, #tpu.memory_space<hbm>>
      tpu.wait_dma2 semaphore(%run_scoped3A : memref<!tpu.dma_semaphore, #tpu.memory_space<semaphore_mem>>) src(%dma_wait3A_24 : memref<64xi32, #tpu.memory_space<hbm>>) dst(%arg6 : memref<64xi32, #tpu.memory_space<vmem>>)
      tpu.yield
    }) : () -> ()
    "tpu.region"() ({
      %run_scoped3A = tpu.sem_alloc : memref<!tpu.dma_semaphore, #tpu.memory_space<semaphore_mem>>
      %dma_start3A_13 = arith.constant 0 : i32
      %dma_start3A_14 = tpu.memref_slice %arg4[%add3A, %dma_start3A_13] : memref<32x64xi32, #tpu.memory_space<hbm>> -> memref<1x64xi32, #tpu.memory_space<hbm>>
      %dma_start3A_15 = tpu.memref_squeeze %dma_start3A_14 : memref<1x64xi32, #tpu.memory_space<hbm>> -> memref<64xi32, #tpu.memory_space<hbm>>
      %dma_start3A_16 = arith.constant 0 : i32
      %dma_start3A_17 = tpu.memref_slice %arg4[%add3A, %dma_start3A_16] : memref<32x64xi32, #tpu.memory_space<hbm>> -> memref<1x64xi32, #tpu.memory_space<hbm>>
      %dma_start3A_18 = tpu.memref_squeeze %dma_start3A_17 : memref<1x64xi32, #tpu.memory_space<hbm>> -> memref<64xi32, #tpu.memory_space<hbm>>
      tpu.enqueue_dma source(%dma_start3A_18 : memref<64xi32, #tpu.memory_space<hbm>>) target(%arg7 : memref<64xi32, #tpu.memory_space<vmem>>) target_semaphore(%run_scoped3A : memref<!tpu.dma_semaphore, #tpu.memory_space<semaphore_mem>>)
      %dma_wait3A_19 = arith.constant 0 : i32
      %dma_wait3A_20 = tpu.memref_slice %arg4[%add3A, %dma_wait3A_19] : memref<32x64xi32, #tpu.memory_space<hbm>> -> memref<1x64xi32, #tpu.memory_space<hbm>>
      %dma_wait3A_21 = tpu.memref_squeeze %dma_wait3A_20 : memref<1x64xi32, #tpu.memory_space<hbm>> -> memref<64xi32, #tpu.memory_space<hbm>>
      %dma_wait3A_22 = arith.constant 0 : i32
      %dma_wait3A_23 = tpu.memref_slice %arg4[%add3A, %dma_wait3A_22] : memref<32x64xi32, #tpu.memory_space<hbm>> -> memref<1x64xi32, #tpu.memory_space<hbm>>
      %dma_wait3A_24 = tpu.memref_squeeze %dma_wait3A_23 : memref<1x64xi32, #tpu.memory_space<hbm>> -> memref<64xi32, #tpu.memory_space<hbm>>
      tpu.wait_dma2 semaphore(%run_scoped3A : memref<!tpu.dma_semaphore, #tpu.memory_space<semaphore_mem>>) src(%dma_wait3A_24 : memref<64xi32, #tpu.memory_space<hbm>>) dst(%arg7 : memref<64xi32, #tpu.memory_space<vmem>>)
      tpu.yield
    }) : () -> ()
    %dma_start3A = arith.constant 0 : i32
    %dma_start3A_3 = arith.constant 0 : i32
    %dma_start3A_4 = tpu.memref_slice %arg5[%dma_start3A, %dma_start3A_3] : memref<8192x1024xf32, #tpu.memory_space<hbm>> -> memref<8192x1024xf32, #tpu.memory_space<hbm>>
    tpu.enqueue_indirect_dma source(%arg8 : memref<64x1024xf32, #tpu.memory_space<vmem>>) target(%dma_start3A_4 : memref<8192x1024xf32, #tpu.memory_space<hbm>>) offsets(%arg6 : memref<64xi32, #tpu.memory_space<vmem>>) semaphore(%arg9 : memref<!tpu.dma_semaphore, #tpu.memory_space<semaphore_mem>>)
    %dma_start3A_5 = arith.constant 0 : i32
    %dma_start3A_6 = arith.constant 0 : i32
    %dma_start3A_7 = tpu.memref_slice %arg5[%dma_start3A_5, %dma_start3A_6] : memref<8192x1024xf32, #tpu.memory_space<hbm>> -> memref<8192x1024xf32, #tpu.memory_space<hbm>>
    tpu.enqueue_indirect_dma source(%arg8 : memref<64x1024xf32, #tpu.memory_space<vmem>>) target(%dma_start3A_7 : memref<8192x1024xf32, #tpu.memory_space<hbm>>) offsets(%arg7 : memref<64xi32, #tpu.memory_space<vmem>>) semaphore(%arg9 : memref<!tpu.dma_semaphore, #tpu.memory_space<semaphore_mem>>)
    %dma_wait3A = arith.constant 0 : i32
    %dma_wait3A_8 = arith.constant 0 : i32
    %dma_wait3A_9 = tpu.memref_slice %arg5[%dma_wait3A, %dma_wait3A_8] : memref<8192x1024xf32, #tpu.memory_space<hbm>> -> memref<8192x1024xf32, #tpu.memory_space<hbm>>
    tpu.wait_indirect_dma semaphore(%arg9 : memref<!tpu.dma_semaphore, #tpu.memory_space<semaphore_mem>>) src(%arg8 : memref<64x1024xf32, #tpu.memory_space<vmem>>) dst(%dma_wait3A_9 : memref<8192x1024xf32, #tpu.memory_space<hbm>>)
    %dma_wait3A_10 = arith.constant 0 : i32
    %dma_wait3A_11 = arith.constant 0 : i32
    %dma_wait3A_12 = tpu.memref_slice %arg5[%dma_wait3A_10, %dma_wait3A_11] : memref<8192x1024xf32, #tpu.memory_space<hbm>> -> memref<8192x1024xf32, #tpu.memory_space<hbm>>
    tpu.wait_indirect_dma semaphore(%arg9 : memref<!tpu.dma_semaphore, #tpu.memory_space<semaphore_mem>>) src(%arg8 : memref<64x1024xf32, #tpu.memory_space<vmem>>) dst(%dma_wait3A_12 : memref<8192x1024xf32, #tpu.memory_space<hbm>>)
    return
  }
}

module attributes {stable_mosaic.version = 14 : i64} {
  func.func @_gate_body(%arg0: i32, %arg1: memref<512x1024xf32, #tpu.memory_space<vmem>>, %arg2: memref<16x1024xf32, #tpu.memory_space<vmem>>, %arg3: memref<1x16xf32, #tpu.memory_space<vmem>>, %arg4: memref<512x2xi32, #tpu.memory_space<vmem>>, %arg5: memref<512x2xf32, #tpu.memory_space<vmem>>, %arg6: memref<1x16xf32, #tpu.memory_space<vmem>>, %arg7: memref<1x64xi32, #tpu.memory_space<vmem>>, %arg8: memref<1x16xf32, #tpu.memory_space<vmem>>) attributes {dimension_semantics = [#tpu.dimension_semantics<arbitrary>], iteration_bounds = array<i64: 4>, scalar_prefetch = 0 : i64, scratch_operands = 1 : i64, tpu.core_type = #tpu.core_type<tc>, window_params = [{transform_indices = @transform_0, window_bounds = array<i64: 512, 1024>}, {pipeline_mode = #tpu.pipeline_mode<synchronous>, transform_indices = @transform_1, window_bounds = array<i64: 16, 1024>}, {pipeline_mode = #tpu.pipeline_mode<synchronous>, transform_indices = @transform_2, window_bounds = array<i64: 1, 16>}, {transform_indices = @transform_3, window_bounds = array<i64: 512, 2>}, {transform_indices = @transform_4, window_bounds = array<i64: 512, 2>}, {pipeline_mode = #tpu.pipeline_mode<synchronous>, transform_indices = @transform_5, window_bounds = array<i64: 1, 16>}, {pipeline_mode = #tpu.pipeline_mode<synchronous>, transform_indices = @transform_6, window_bounds = array<i64: 1, 64>}]} {
    %get3A = arith.constant 0 : index
    %get3A_0 = arith.constant 0 : index
    %get3A_1 = vector.load %arg1[%get3A, %get3A_0] : memref<512x1024xf32, #tpu.memory_space<vmem>>, vector<512x1024xf32>
    %eq3A = arith.constant 0 : i32
    %eq3A_2 = arith.cmpi eq, %arg0, %eq3A : i32
    %convert_element_type3A = arith.extui %eq3A_2 : i1 to i32
    %cond3A = arith.constant 0 : i32
    %cond3A_3 = arith.cmpi ne, %convert_element_type3A, %cond3A : i32
    scf.if %cond3A_3 {
      %broadcast_in_dim3A_302 = arith.constant 0.000000e+00 : f32
      %broadcast_in_dim3A_303 = vector.broadcast %broadcast_in_dim3A_302 : f32 to vector<1x16xf32>
      %swap3A_304 = arith.constant 0 : index
      %swap3A_305 = arith.constant 0 : index
      %swap3A_306 = vector.load %arg8[%swap3A_304, %swap3A_305] : memref<1x16xf32, #tpu.memory_space<vmem>>, vector<1x16xf32>
      tpu.vector_store %arg8[%swap3A_304, %swap3A_305], %broadcast_in_dim3A_303 {strides = array<i32>} : memref<1x16xf32, #tpu.memory_space<vmem>>, vector<1x16xf32>,
    } else {
    }
    %get3A_4 = arith.constant 0 : index
    %get3A_5 = arith.constant 0 : index
    %get3A_6 = vector.load %arg2[%get3A_4, %get3A_5] : memref<16x1024xf32, #tpu.memory_space<vmem>>, vector<16x1024xf32>
    %dot_general3A = arith.constant dense<0.000000e+00> : vector<512x16xf32>
    %dot_general3A_7 = tpu.matmul %get3A_1, %get3A_6, %dot_general3A {dimension_numbers = #tpu.dot_dimension_numbers<[1], [1], [0], [0], [0, 0, 1, 0], [], []>, transpose_lhs_hint = false} : vector<512x1024xf32>, vector<16x1024xf32>, vector<512x16xf32> -> vector<512x16xf32>
    %neg3A = arith.constant 0.000000e+00 : f32
    %neg3A_8 = vector.broadcast %neg3A : f32 to vector<512x16xf32>
    %neg3A_9 = arith.subf %neg3A_8, %dot_general3A_7 : vector<512x16xf32>
    %exp3A = math.exp %neg3A_9 : vector<512x16xf32>
    %add3A = arith.constant 1.000000e+00 : f32
    %add3A_10 = vector.broadcast %add3A : f32 to vector<512x16xf32>
    %add3A_11 = arith.addf %add3A_10, %exp3A : vector<512x16xf32>
    %div3A = arith.constant 1.000000e+00 : f32
    %div3A_12 = vector.broadcast %div3A : f32 to vector<512x16xf32>
    %div3A_13 = arith.divf %div3A_12, %add3A_11 : vector<512x16xf32>
    %get3A_14 = arith.constant 0 : index
    %get3A_15 = arith.constant 0 : index
    %get3A_16 = vector.load %arg3[%get3A_14, %get3A_15] : memref<1x16xf32, #tpu.memory_space<vmem>>, vector<1x16xf32>
    %add3A_17 = vector.broadcast %get3A_16 : vector<1x16xf32> to vector<512x16xf32>
    %add3A_18 = arith.addf %div3A_13, %add3A_17 : vector<512x16xf32>
    %iota3A = tpu.iota {dimensions = array<i32: 1>} : vector<512x16xi32>
    %jit3A = arith.constant 4 : i32
    %div3A_19 = vector.broadcast %jit3A : i32 to vector<512x16xi32>
    %div3A_20 = arith.divsi %iota3A, %div3A_19 : vector<512x16xi32>
    %sign3A = arith.constant 0 : i32
    %sign3A_21 = vector.broadcast %sign3A : i32 to vector<512x16xi32>
    %sign3A_22 = arith.cmpi sgt, %iota3A, %sign3A_21 : vector<512x16xi32>
    %sign3A_23 = arith.extui %sign3A_22 : vector<512x16xi1> to vector<512x16xi32>
    %sign3A_24 = arith.constant 0 : i32
    %sign3A_25 = vector.broadcast %sign3A_24 : i32 to vector<512x16xi32>
    %sign3A_26 = arith.cmpi slt, %iota3A, %sign3A_25 : vector<512x16xi32>
    %sign3A_27 = arith.extui %sign3A_26 : vector<512x16xi1> to vector<512x16xi32>
    %sign3A_28 = arith.subi %sign3A_23, %sign3A_27 : vector<512x16xi32>
    %sign3A_29 = arith.constant 0 : i32
    %sign3A_30 = arith.cmpi sgt, %jit3A, %sign3A_29 : i32
    %sign3A_31 = arith.extui %sign3A_30 : i1 to i32
    %sign3A_32 = arith.constant 0 : i32
    %sign3A_33 = arith.cmpi slt, %jit3A, %sign3A_32 : i32
    %sign3A_34 = arith.extui %sign3A_33 : i1 to i32
    %sign3A_35 = arith.subi %sign3A_31, %sign3A_34 : i32
    %ne3A = vector.broadcast %sign3A_35 : i32 to vector<512x16xi32>
    %ne3A_36 = arith.cmpi ne, %sign3A_28, %ne3A : vector<512x16xi32>
    %rem3A = vector.broadcast %jit3A : i32 to vector<512x16xi32>
    %rem3A_37 = arith.remsi %iota3A, %rem3A : vector<512x16xi32>
    %ne3A_38 = arith.constant 0 : i32
    %ne3A_39 = vector.broadcast %ne3A_38 : i32 to vector<512x16xi32>
    %ne3A_40 = arith.cmpi ne, %rem3A_37, %ne3A_39 : vector<512x16xi32>
    %and3A = arith.andi %ne3A_36, %ne3A_40 : vector<512x16xi1>
    %sub3A = arith.constant 1 : i32
    %sub3A_41 = vector.broadcast %sub3A : i32 to vector<512x16xi32>
    %sub3A_42 = arith.subi %div3A_20, %sub3A_41 : vector<512x16xi32>
    %select_n3A = arith.select %and3A, %sub3A_42, %div3A_20 : vector<512x16xi1>, vector<512x16xi32>
    %eq3A_43 = arith.constant 0 : i32
    %eq3A_44 = vector.broadcast %eq3A_43 : i32 to vector<512x16xi32>
    %eq3A_45 = arith.cmpi eq, %select_n3A, %eq3A_44 : vector<512x16xi32>
    %jit3A_46 = arith.constant -1.000000e+30 : f32
    %broadcast_in_dim3A = vector.broadcast %jit3A_46 : f32 to vector<512x16xf32>
    %select_n3A_47 = arith.select %eq3A_45, %add3A_18, %broadcast_in_dim3A : vector<512x16xi1>, vector<512x16xf32>
    %reduce_max3A = arith.constant dense<0xFF800000> : vector<512xf32>
    %reduce_max3A_48 = vector.multi_reduction <maximumf>, %select_n3A_47, %reduce_max3A [1] : vector<512x16xf32> to vector<512xf32>
    %broadcast_in_dim3A_49 = vector.shape_cast %reduce_max3A_48 : vector<512xf32> to vector<512x1xf32>
    %eq3A_50 = vector.broadcast %broadcast_in_dim3A_49 : vector<512x1xf32> to vector<512x16xf32>
    %eq3A_51 = arith.cmpf oeq, %select_n3A_47, %eq3A_50 : vector<512x16xf32>
    %jit3A_52 = arith.constant 99 : i32
    %broadcast_in_dim3A_53 = vector.broadcast %jit3A_52 : i32 to vector<512x16xi32>
    %select_n3A_54 = arith.select %eq3A_51, %iota3A, %broadcast_in_dim3A_53 : vector<512x16xi1>, vector<512x16xi32>
    %reduce_min3A = arith.constant dense<2147483647> : vector<512xi32>
    %reduce_min3A_55 = vector.multi_reduction <minsi>, %select_n3A_54, %reduce_min3A [1] : vector<512x16xi32> to vector<512xi32>
    %broadcast_in_dim3A_56 = vector.shape_cast %reduce_min3A_55 : vector<512xi32> to vector<512x1xi32>
    %eq3A_57 = vector.broadcast %broadcast_in_dim3A_56 : vector<512x1xi32> to vector<512x16xi32>
    %eq3A_58 = arith.cmpi eq, %iota3A, %eq3A_57 : vector<512x16xi32>
    %jit3A_59 = arith.constant -1.000000e+30 : f32
    %broadcast_in_dim3A_60 = vector.broadcast %jit3A_59 : f32 to vector<512x16xf32>
    %select_n3A_61 = arith.select %eq3A_58, %broadcast_in_dim3A_60, %select_n3A_47 : vector<512x16xi1>, vector<512x16xf32>
    %reduce_max3A_62 = arith.constant dense<0xFF800000> : vector<512xf32>
    %reduce_max3A_63 = vector.multi_reduction <maximumf>, %select_n3A_61, %reduce_max3A_62 [1] : vector<512x16xf32> to vector<512xf32>
    %broadcast_in_dim3A_64 = vector.shape_cast %reduce_max3A_63 : vector<512xf32> to vector<512x1xf32>
    %add3A_65 = arith.addf %broadcast_in_dim3A_49, %broadcast_in_dim3A_64 : vector<512x1xf32>
    %eq3A_66 = arith.constant 1 : i32
    %eq3A_67 = vector.broadcast %eq3A_66 : i32 to vector<512x16xi32>
    %eq3A_68 = arith.cmpi eq, %select_n3A, %eq3A_67 : vector<512x16xi32>
    %jit3A_69 = arith.constant -1.000000e+30 : f32
    %broadcast_in_dim3A_70 = vector.broadcast %jit3A_69 : f32 to vector<512x16xf32>
    %select_n3A_71 = arith.select %eq3A_68, %add3A_18, %broadcast_in_dim3A_70 : vector<512x16xi1>, vector<512x16xf32>
    %reduce_max3A_72 = arith.constant dense<0xFF800000> : vector<512xf32>
    %reduce_max3A_73 = vector.multi_reduction <maximumf>, %select_n3A_71, %reduce_max3A_72 [1] : vector<512x16xf32> to vector<512xf32>
    %broadcast_in_dim3A_74 = vector.shape_cast %reduce_max3A_73 : vector<512xf32> to vector<512x1xf32>
    %eq3A_75 = vector.broadcast %broadcast_in_dim3A_74 : vector<512x1xf32> to vector<512x16xf32>
    %eq3A_76 = arith.cmpf oeq, %select_n3A_71, %eq3A_75 : vector<512x16xf32>
    %jit3A_77 = arith.constant 99 : i32
    %broadcast_in_dim3A_78 = vector.broadcast %jit3A_77 : i32 to vector<512x16xi32>
    %select_n3A_79 = arith.select %eq3A_76, %iota3A, %broadcast_in_dim3A_78 : vector<512x16xi1>, vector<512x16xi32>
    %reduce_min3A_80 = arith.constant dense<2147483647> : vector<512xi32>
    %reduce_min3A_81 = vector.multi_reduction <minsi>, %select_n3A_79, %reduce_min3A_80 [1] : vector<512x16xi32> to vector<512xi32>
    %broadcast_in_dim3A_82 = vector.shape_cast %reduce_min3A_81 : vector<512xi32> to vector<512x1xi32>
    %eq3A_83 = vector.broadcast %broadcast_in_dim3A_82 : vector<512x1xi32> to vector<512x16xi32>
    %eq3A_84 = arith.cmpi eq, %iota3A, %eq3A_83 : vector<512x16xi32>
    %jit3A_85 = arith.constant -1.000000e+30 : f32
    %broadcast_in_dim3A_86 = vector.broadcast %jit3A_85 : f32 to vector<512x16xf32>
    %select_n3A_87 = arith.select %eq3A_84, %broadcast_in_dim3A_86, %select_n3A_71 : vector<512x16xi1>, vector<512x16xf32>
    %reduce_max3A_88 = arith.constant dense<0xFF800000> : vector<512xf32>
    %reduce_max3A_89 = vector.multi_reduction <maximumf>, %select_n3A_87, %reduce_max3A_88 [1] : vector<512x16xf32> to vector<512xf32>
    %broadcast_in_dim3A_90 = vector.shape_cast %reduce_max3A_89 : vector<512xf32> to vector<512x1xf32>
    %add3A_91 = arith.addf %broadcast_in_dim3A_74, %broadcast_in_dim3A_90 : vector<512x1xf32>
    %eq3A_92 = arith.constant 2 : i32
    %eq3A_93 = vector.broadcast %eq3A_92 : i32 to vector<512x16xi32>
    %eq3A_94 = arith.cmpi eq, %select_n3A, %eq3A_93 : vector<512x16xi32>
    %jit3A_95 = arith.constant -1.000000e+30 : f32
    %broadcast_in_dim3A_96 = vector.broadcast %jit3A_95 : f32 to vector<512x16xf32>
    %select_n3A_97 = arith.select %eq3A_94, %add3A_18, %broadcast_in_dim3A_96 : vector<512x16xi1>, vector<512x16xf32>
    %reduce_max3A_98 = arith.constant dense<0xFF800000> : vector<512xf32>
    %reduce_max3A_99 = vector.multi_reduction <maximumf>, %select_n3A_97, %reduce_max3A_98 [1] : vector<512x16xf32> to vector<512xf32>
    %broadcast_in_dim3A_100 = vector.shape_cast %reduce_max3A_99 : vector<512xf32> to vector<512x1xf32>
    %eq3A_101 = vector.broadcast %broadcast_in_dim3A_100 : vector<512x1xf32> to vector<512x16xf32>
    %eq3A_102 = arith.cmpf oeq, %select_n3A_97, %eq3A_101 : vector<512x16xf32>
    %jit3A_103 = arith.constant 99 : i32
    %broadcast_in_dim3A_104 = vector.broadcast %jit3A_103 : i32 to vector<512x16xi32>
    %select_n3A_105 = arith.select %eq3A_102, %iota3A, %broadcast_in_dim3A_104 : vector<512x16xi1>, vector<512x16xi32>
    %reduce_min3A_106 = arith.constant dense<2147483647> : vector<512xi32>
    %reduce_min3A_107 = vector.multi_reduction <minsi>, %select_n3A_105, %reduce_min3A_106 [1] : vector<512x16xi32> to vector<512xi32>
    %broadcast_in_dim3A_108 = vector.shape_cast %reduce_min3A_107 : vector<512xi32> to vector<512x1xi32>
    %eq3A_109 = vector.broadcast %broadcast_in_dim3A_108 : vector<512x1xi32> to vector<512x16xi32>
    %eq3A_110 = arith.cmpi eq, %iota3A, %eq3A_109 : vector<512x16xi32>
    %jit3A_111 = arith.constant -1.000000e+30 : f32
    %broadcast_in_dim3A_112 = vector.broadcast %jit3A_111 : f32 to vector<512x16xf32>
    %select_n3A_113 = arith.select %eq3A_110, %broadcast_in_dim3A_112, %select_n3A_97 : vector<512x16xi1>, vector<512x16xf32>
    %reduce_max3A_114 = arith.constant dense<0xFF800000> : vector<512xf32>
    %reduce_max3A_115 = vector.multi_reduction <maximumf>, %select_n3A_113, %reduce_max3A_114 [1] : vector<512x16xf32> to vector<512xf32>
    %broadcast_in_dim3A_116 = vector.shape_cast %reduce_max3A_115 : vector<512xf32> to vector<512x1xf32>
    %add3A_117 = arith.addf %broadcast_in_dim3A_100, %broadcast_in_dim3A_116 : vector<512x1xf32>
    %eq3A_118 = arith.constant 3 : i32
    %eq3A_119 = vector.broadcast %eq3A_118 : i32 to vector<512x16xi32>
    %eq3A_120 = arith.cmpi eq, %select_n3A, %eq3A_119 : vector<512x16xi32>
    %jit3A_121 = arith.constant -1.000000e+30 : f32
    %broadcast_in_dim3A_122 = vector.broadcast %jit3A_121 : f32 to vector<512x16xf32>
    %select_n3A_123 = arith.select %eq3A_120, %add3A_18, %broadcast_in_dim3A_122 : vector<512x16xi1>, vector<512x16xf32>
    %reduce_max3A_124 = arith.constant dense<0xFF800000> : vector<512xf32>
    %reduce_max3A_125 = vector.multi_reduction <maximumf>, %select_n3A_123, %reduce_max3A_124 [1] : vector<512x16xf32> to vector<512xf32>
    %broadcast_in_dim3A_126 = vector.shape_cast %reduce_max3A_125 : vector<512xf32> to vector<512x1xf32>
    %eq3A_127 = vector.broadcast %broadcast_in_dim3A_126 : vector<512x1xf32> to vector<512x16xf32>
    %eq3A_128 = arith.cmpf oeq, %select_n3A_123, %eq3A_127 : vector<512x16xf32>
    %jit3A_129 = arith.constant 99 : i32
    %broadcast_in_dim3A_130 = vector.broadcast %jit3A_129 : i32 to vector<512x16xi32>
    %select_n3A_131 = arith.select %eq3A_128, %iota3A, %broadcast_in_dim3A_130 : vector<512x16xi1>, vector<512x16xi32>
    %reduce_min3A_132 = arith.constant dense<2147483647> : vector<512xi32>
    %reduce_min3A_133 = vector.multi_reduction <minsi>, %select_n3A_131, %reduce_min3A_132 [1] : vector<512x16xi32> to vector<512xi32>
    %broadcast_in_dim3A_134 = vector.shape_cast %reduce_min3A_133 : vector<512xi32> to vector<512x1xi32>
    %eq3A_135 = vector.broadcast %broadcast_in_dim3A_134 : vector<512x1xi32> to vector<512x16xi32>
    %eq3A_136 = arith.cmpi eq, %iota3A, %eq3A_135 : vector<512x16xi32>
    %jit3A_137 = arith.constant -1.000000e+30 : f32
    %broadcast_in_dim3A_138 = vector.broadcast %jit3A_137 : f32 to vector<512x16xf32>
    %select_n3A_139 = arith.select %eq3A_136, %broadcast_in_dim3A_138, %select_n3A_123 : vector<512x16xi1>, vector<512x16xf32>
    %reduce_max3A_140 = arith.constant dense<0xFF800000> : vector<512xf32>
    %reduce_max3A_141 = vector.multi_reduction <maximumf>, %select_n3A_139, %reduce_max3A_140 [1] : vector<512x16xf32> to vector<512xf32>
    %broadcast_in_dim3A_142 = vector.shape_cast %reduce_max3A_141 : vector<512xf32> to vector<512x1xf32>
    %add3A_143 = arith.addf %broadcast_in_dim3A_126, %broadcast_in_dim3A_142 : vector<512x1xf32>
    %max3A = arith.maximumf %add3A_65, %add3A_91 : vector<512x1xf32>
    %max3A_144 = arith.maximumf %add3A_117, %add3A_143 : vector<512x1xf32>
    %max3A_145 = arith.maximumf %max3A, %max3A_144 : vector<512x1xf32>
    %eq3A_146 = arith.cmpf oeq, %add3A_65, %max3A_145 : vector<512x1xf32>
    %eq3A_147 = arith.cmpf oeq, %add3A_91, %max3A_145 : vector<512x1xf32>
    %eq3A_148 = arith.cmpf oeq, %add3A_117, %max3A_145 : vector<512x1xf32>
    %jit3A_149 = arith.constant 2 : i32
    %jit3A_150 = arith.constant 3 : i32
    %broadcast_in_dim3A_151 = vector.broadcast %jit3A_149 : i32 to vector<512x1xi32>
    %broadcast_in_dim3A_152 = vector.broadcast %jit3A_150 : i32 to vector<512x1xi32>
    %select_n3A_153 = arith.select %eq3A_148, %broadcast_in_dim3A_151, %broadcast_in_dim3A_152 : vector<512x1xi1>, vector<512x1xi32>
    %jit3A_154 = arith.constant 1 : i32
    %broadcast_in_dim3A_155 = vector.broadcast %jit3A_154 : i32 to vector<512x1xi32>
    %select_n3A_156 = arith.select %eq3A_147, %broadcast_in_dim3A_155, %select_n3A_153 : vector<512x1xi1>, vector<512x1xi32>
    %jit3A_157 = arith.constant 0 : i32
    %broadcast_in_dim3A_158 = vector.broadcast %jit3A_157 : i32 to vector<512x1xi32>
    %select_n3A_159 = arith.select %eq3A_146, %broadcast_in_dim3A_158, %select_n3A_156 : vector<512x1xi1>, vector<512x1xi32>
    %eq3A_160 = arith.constant 0 : i32
    %eq3A_161 = vector.broadcast %eq3A_160 : i32 to vector<512x1xi32>
    %eq3A_162 = arith.cmpi eq, %select_n3A_159, %eq3A_161 : vector<512x1xi32>
    %jit3A_163 = arith.constant -1.000000e+30 : f32
    %broadcast_in_dim3A_164 = vector.broadcast %jit3A_163 : f32 to vector<512x1xf32>
    %select_n3A_165 = arith.select %eq3A_162, %broadcast_in_dim3A_164, %add3A_65 : vector<512x1xi1>, vector<512x1xf32>
    %eq3A_166 = arith.constant 1 : i32
    %eq3A_167 = vector.broadcast %eq3A_166 : i32 to vector<512x1xi32>
    %eq3A_168 = arith.cmpi eq, %select_n3A_159, %eq3A_167 : vector<512x1xi32>
    %jit3A_169 = arith.constant -1.000000e+30 : f32
    %broadcast_in_dim3A_170 = vector.broadcast %jit3A_169 : f32 to vector<512x1xf32>
    %select_n3A_171 = arith.select %eq3A_168, %broadcast_in_dim3A_170, %add3A_91 : vector<512x1xi1>, vector<512x1xf32>
    %eq3A_172 = arith.constant 2 : i32
    %eq3A_173 = vector.broadcast %eq3A_172 : i32 to vector<512x1xi32>
    %eq3A_174 = arith.cmpi eq, %select_n3A_159, %eq3A_173 : vector<512x1xi32>
    %jit3A_175 = arith.constant -1.000000e+30 : f32
    %broadcast_in_dim3A_176 = vector.broadcast %jit3A_175 : f32 to vector<512x1xf32>
    %select_n3A_177 = arith.select %eq3A_174, %broadcast_in_dim3A_176, %add3A_117 : vector<512x1xi1>, vector<512x1xf32>
    %eq3A_178 = arith.constant 3 : i32
    %eq3A_179 = vector.broadcast %eq3A_178 : i32 to vector<512x1xi32>
    %eq3A_180 = arith.cmpi eq, %select_n3A_159, %eq3A_179 : vector<512x1xi32>
    %jit3A_181 = arith.constant -1.000000e+30 : f32
    %broadcast_in_dim3A_182 = vector.broadcast %jit3A_181 : f32 to vector<512x1xf32>
    %select_n3A_183 = arith.select %eq3A_180, %broadcast_in_dim3A_182, %add3A_143 : vector<512x1xi1>, vector<512x1xf32>
    %max3A_184 = arith.maximumf %select_n3A_165, %select_n3A_171 : vector<512x1xf32>
    %max3A_185 = arith.maximumf %select_n3A_177, %select_n3A_183 : vector<512x1xf32>
    %max3A_186 = arith.maximumf %max3A_184, %max3A_185 : vector<512x1xf32>
    %eq3A_187 = arith.cmpf oeq, %select_n3A_165, %max3A_186 : vector<512x1xf32>
    %eq3A_188 = arith.cmpf oeq, %select_n3A_171, %max3A_186 : vector<512x1xf32>
    %eq3A_189 = arith.cmpf oeq, %select_n3A_177, %max3A_186 : vector<512x1xf32>
    %jit3A_190 = arith.constant 2 : i32
    %jit3A_191 = arith.constant 3 : i32
    %broadcast_in_dim3A_192 = vector.broadcast %jit3A_190 : i32 to vector<512x1xi32>
    %broadcast_in_dim3A_193 = vector.broadcast %jit3A_191 : i32 to vector<512x1xi32>
    %select_n3A_194 = arith.select %eq3A_189, %broadcast_in_dim3A_192, %broadcast_in_dim3A_193 : vector<512x1xi1>, vector<512x1xi32>
    %jit3A_195 = arith.constant 1 : i32
    %broadcast_in_dim3A_196 = vector.broadcast %jit3A_195 : i32 to vector<512x1xi32>
    %select_n3A_197 = arith.select %eq3A_188, %broadcast_in_dim3A_196, %select_n3A_194 : vector<512x1xi1>, vector<512x1xi32>
    %jit3A_198 = arith.constant 0 : i32
    %broadcast_in_dim3A_199 = vector.broadcast %jit3A_198 : i32 to vector<512x1xi32>
    %select_n3A_200 = arith.select %eq3A_187, %broadcast_in_dim3A_199, %select_n3A_197 : vector<512x1xi1>, vector<512x1xi32>
    %eq3A_201 = vector.broadcast %select_n3A_159 : vector<512x1xi32> to vector<512x16xi32>
    %eq3A_202 = arith.cmpi eq, %select_n3A, %eq3A_201 : vector<512x16xi32>
    %eq3A_203 = vector.broadcast %select_n3A_200 : vector<512x1xi32> to vector<512x16xi32>
    %eq3A_204 = arith.cmpi eq, %select_n3A, %eq3A_203 : vector<512x16xi32>
    %or3A = arith.ori %eq3A_202, %eq3A_204 : vector<512x16xi1>
    %jit3A_205 = arith.constant 0.000000e+00 : f32
    %broadcast_in_dim3A_206 = vector.broadcast %jit3A_205 : f32 to vector<512x16xf32>
    %select_n3A_207 = arith.select %or3A, %add3A_18, %broadcast_in_dim3A_206 : vector<512x16xi1>, vector<512x16xf32>
    %reduce_max3A_208 = arith.constant dense<0xFF800000> : vector<512xf32>
    %reduce_max3A_209 = vector.multi_reduction <maximumf>, %select_n3A_207, %reduce_max3A_208 [1] : vector<512x16xf32> to vector<512xf32>
    %broadcast_in_dim3A_210 = vector.shape_cast %reduce_max3A_209 : vector<512xf32> to vector<512x1xf32>
    %eq3A_211 = vector.broadcast %broadcast_in_dim3A_210 : vector<512x1xf32> to vector<512x16xf32>
    %eq3A_212 = arith.cmpf oeq, %select_n3A_207, %eq3A_211 : vector<512x16xf32>
    %jit3A_213 = arith.constant 99 : i32
    %broadcast_in_dim3A_214 = vector.broadcast %jit3A_213 : i32 to vector<512x16xi32>
    %select_n3A_215 = arith.select %eq3A_212, %iota3A, %broadcast_in_dim3A_214 : vector<512x16xi1>, vector<512x16xi32>
    %reduce_min3A_216 = arith.constant dense<2147483647> : vector<512xi32>
    %reduce_min3A_217 = vector.multi_reduction <minsi>, %select_n3A_215, %reduce_min3A_216 [1] : vector<512x16xi32> to vector<512xi32>
    %broadcast_in_dim3A_218 = vector.shape_cast %reduce_min3A_217 : vector<512xi32> to vector<512x1xi32>
    %eq3A_219 = vector.broadcast %broadcast_in_dim3A_218 : vector<512x1xi32> to vector<512x16xi32>
    %eq3A_220 = arith.cmpi eq, %iota3A, %eq3A_219 : vector<512x16xi32>
    %jit3A_221 = arith.constant -1.000000e+30 : f32
    %broadcast_in_dim3A_222 = vector.broadcast %jit3A_221 : f32 to vector<512x16xf32>
    %select_n3A_223 = arith.select %eq3A_220, %broadcast_in_dim3A_222, %select_n3A_207 : vector<512x16xi1>, vector<512x16xf32>
    %reduce_max3A_224 = arith.constant dense<0xFF800000> : vector<512xf32>
    %reduce_max3A_225 = vector.multi_reduction <maximumf>, %select_n3A_223, %reduce_max3A_224 [1] : vector<512x16xf32> to vector<512xf32>
    %broadcast_in_dim3A_226 = vector.shape_cast %reduce_max3A_225 : vector<512xf32> to vector<512x1xf32>
    %eq3A_227 = vector.broadcast %broadcast_in_dim3A_226 : vector<512x1xf32> to vector<512x16xf32>
    %eq3A_228 = arith.cmpf oeq, %select_n3A_223, %eq3A_227 : vector<512x16xf32>
    %jit3A_229 = arith.constant 99 : i32
    %broadcast_in_dim3A_230 = vector.broadcast %jit3A_229 : i32 to vector<512x16xi32>
    %select_n3A_231 = arith.select %eq3A_228, %iota3A, %broadcast_in_dim3A_230 : vector<512x16xi1>, vector<512x16xi32>
    %reduce_min3A_232 = arith.constant dense<2147483647> : vector<512xi32>
    %reduce_min3A_233 = vector.multi_reduction <minsi>, %select_n3A_231, %reduce_min3A_232 [1] : vector<512x16xi32> to vector<512xi32>
    %broadcast_in_dim3A_234 = vector.shape_cast %reduce_min3A_233 : vector<512xi32> to vector<512x1xi32>
    %eq3A_235 = vector.broadcast %broadcast_in_dim3A_218 : vector<512x1xi32> to vector<512x16xi32>
    %eq3A_236 = arith.cmpi eq, %iota3A, %eq3A_235 : vector<512x16xi32>
    %jit3A_237 = arith.constant 0.000000e+00 : f32
    %broadcast_in_dim3A_238 = vector.broadcast %jit3A_237 : f32 to vector<512x16xf32>
    %select_n3A_239 = arith.select %eq3A_236, %div3A_13, %broadcast_in_dim3A_238 : vector<512x16xi1>, vector<512x16xf32>
    %reduce_sum3A = arith.constant dense<0.000000e+00> : vector<512xf32>
    %reduce_sum3A_240 = vector.multi_reduction <add>, %select_n3A_239, %reduce_sum3A [1] : vector<512x16xf32> to vector<512xf32>
    %broadcast_in_dim3A_241 = vector.shape_cast %reduce_sum3A_240 : vector<512xf32> to vector<512x1xf32>
    %eq3A_242 = vector.broadcast %broadcast_in_dim3A_234 : vector<512x1xi32> to vector<512x16xi32>
    %eq3A_243 = arith.cmpi eq, %iota3A, %eq3A_242 : vector<512x16xi32>
    %jit3A_244 = arith.constant 0.000000e+00 : f32
    %broadcast_in_dim3A_245 = vector.broadcast %jit3A_244 : f32 to vector<512x16xf32>
    %select_n3A_246 = arith.select %eq3A_243, %div3A_13, %broadcast_in_dim3A_245 : vector<512x16xi1>, vector<512x16xf32>
    %reduce_sum3A_247 = arith.constant dense<0.000000e+00> : vector<512xf32>
    %reduce_sum3A_248 = vector.multi_reduction <add>, %select_n3A_246, %reduce_sum3A_247 [1] : vector<512x16xf32> to vector<512xf32>
    %broadcast_in_dim3A_249 = vector.shape_cast %reduce_sum3A_248 : vector<512xf32> to vector<512x1xf32>
    %add3A_250 = arith.addf %broadcast_in_dim3A_241, %broadcast_in_dim3A_249 : vector<512x1xf32>
    %add3A_251 = arith.constant 9.99999968E-21 : f32
    %add3A_252 = vector.broadcast %add3A_251 : f32 to vector<512x1xf32>
    %add3A_253 = arith.addf %add3A_250, %add3A_252 : vector<512x1xf32>
    %iota3A_254 = tpu.iota {dimensions = array<i32: 1>} : vector<512x2xi32>
    %eq3A_255 = arith.constant 0 : i32
    %eq3A_256 = vector.broadcast %eq3A_255 : i32 to vector<512x2xi32>
    %eq3A_257 = arith.cmpi eq, %iota3A_254, %eq3A_256 : vector<512x2xi32>
    %broadcast_in_dim3A_258 = vector.shape_cast %broadcast_in_dim3A_218 : vector<512x1xi32> to vector<512x1xi32>
    %broadcast_in_dim3A_259 = vector.broadcast %broadcast_in_dim3A_258 : vector<512x1xi32> to vector<512x2xi32>
    %broadcast_in_dim3A_260 = vector.shape_cast %broadcast_in_dim3A_234 : vector<512x1xi32> to vector<512x1xi32>
    %broadcast_in_dim3A_261 = vector.broadcast %broadcast_in_dim3A_260 : vector<512x1xi32> to vector<512x2xi32>
    %select_n3A_262 = arith.select %eq3A_257, %broadcast_in_dim3A_259, %broadcast_in_dim3A_261 : vector<512x2xi1>, vector<512x2xi32>
    %swap3A = arith.constant 0 : index
    %swap3A_263 = arith.constant 0 : index
    %swap3A_264 = vector.load %arg4[%swap3A, %swap3A_263] : memref<512x2xi32, #tpu.memory_space<vmem>>, vector<512x2xi32>
    tpu.vector_store %arg4[%swap3A, %swap3A_263], %select_n3A_262 {strides = array<i32>} : memref<512x2xi32, #tpu.memory_space<vmem>>, vector<512x2xi32>,
    %eq3A_265 = arith.constant 0 : i32
    %eq3A_266 = vector.broadcast %eq3A_265 : i32 to vector<512x2xi32>
    %eq3A_267 = arith.cmpi eq, %iota3A_254, %eq3A_266 : vector<512x2xi32>
    %div3A_268 = arith.divf %broadcast_in_dim3A_241, %add3A_253 : vector<512x1xf32>
    %broadcast_in_dim3A_269 = vector.shape_cast %div3A_268 : vector<512x1xf32> to vector<512x1xf32>
    %broadcast_in_dim3A_270 = vector.broadcast %broadcast_in_dim3A_269 : vector<512x1xf32> to vector<512x2xf32>
    %div3A_271 = arith.divf %broadcast_in_dim3A_249, %add3A_253 : vector<512x1xf32>
    %broadcast_in_dim3A_272 = vector.shape_cast %div3A_271 : vector<512x1xf32> to vector<512x1xf32>
    %broadcast_in_dim3A_273 = vector.broadcast %broadcast_in_dim3A_272 : vector<512x1xf32> to vector<512x2xf32>
    %select_n3A_274 = arith.select %eq3A_267, %broadcast_in_dim3A_270, %broadcast_in_dim3A_273 : vector<512x2xi1>, vector<512x2xf32>
    %mul3A = arith.constant 2.500000e+00 : f32
    %mul3A_275 = vector.broadcast %mul3A : f32 to vector<512x2xf32>
    %mul3A_276 = arith.mulf %select_n3A_274, %mul3A_275 : vector<512x2xf32>
    %swap3A_277 = arith.constant 0 : index
    %swap3A_278 = arith.constant 0 : index
    %swap3A_279 = vector.load %arg5[%swap3A_277, %swap3A_278] : memref<512x2xf32, #tpu.memory_space<vmem>>, vector<512x2xf32>
    tpu.vector_store %arg5[%swap3A_277, %swap3A_278], %mul3A_276 {strides = array<i32>} : memref<512x2xf32, #tpu.memory_space<vmem>>, vector<512x2xf32>,
    %eq3A_280 = vector.broadcast %broadcast_in_dim3A_218 : vector<512x1xi32> to vector<512x16xi32>
    %eq3A_281 = arith.cmpi eq, %iota3A, %eq3A_280 : vector<512x16xi32>
    %eq3A_282 = vector.broadcast %broadcast_in_dim3A_234 : vector<512x1xi32> to vector<512x16xi32>
    %eq3A_283 = arith.cmpi eq, %iota3A, %eq3A_282 : vector<512x16xi32>
    %or3A_284 = arith.ori %eq3A_281, %eq3A_283 : vector<512x16xi1>
    %convert_element_type3A_285 = arith.extui %or3A_284 : vector<512x16xi1> to vector<512x16xi32>
    %convert_element_type3A_286 = arith.sitofp %convert_element_type3A_285 : vector<512x16xi32> to vector<512x16xf32>
    %get3A_287 = arith.constant 0 : index
    %get3A_288 = arith.constant 0 : index
    %get3A_289 = vector.load %arg8[%get3A_287, %get3A_288] : memref<1x16xf32, #tpu.memory_space<vmem>>, vector<1x16xf32>
    %reduce_sum3A_290 = arith.constant dense<0.000000e+00> : vector<16xf32>
    %reduce_sum3A_291 = vector.multi_reduction <add>, %convert_element_type3A_286, %reduce_sum3A_290 [0] : vector<512x16xf32> to vector<16xf32>
    %broadcast_in_dim3A_292 = vector.shape_cast %reduce_sum3A_291 : vector<16xf32> to vector<1x16xf32>
    %add3A_293 = arith.addf %get3A_289, %broadcast_in_dim3A_292 : vector<1x16xf32>
    %swap3A_294 = arith.constant 0 : index
    %swap3A_295 = arith.constant 0 : index
    %swap3A_296 = vector.load %arg8[%swap3A_294, %swap3A_295] : memref<1x16xf32, #tpu.memory_space<vmem>>, vector<1x16xf32>
    tpu.vector_store %arg8[%swap3A_294, %swap3A_295], %add3A_293 {strides = array<i32>} : memref<1x16xf32, #tpu.memory_space<vmem>>, vector<1x16xf32>,
    %eq3A_297 = arith.constant 3 : i32
    %eq3A_298 = arith.cmpi eq, %arg0, %eq3A_297 : i32
    %convert_element_type3A_299 = arith.extui %eq3A_298 : i1 to i32
    %cond3A_300 = arith.constant 0 : i32
    %cond3A_301 = arith.cmpi ne, %convert_element_type3A_299, %cond3A_300 : i32
    scf.if %cond3A_301 {
      %get3A_302 = arith.constant 0 : index
      %get3A_303 = arith.constant 0 : index
      %get3A_304 = vector.load %arg8[%get3A_302, %get3A_303] : memref<1x16xf32, #tpu.memory_space<vmem>>, vector<1x16xf32>
      %add3A_305 = arith.constant 2.550000e+02 : f32
      %add3A_306 = vector.broadcast %add3A_305 : f32 to vector<1x16xf32>
      %add3A_307 = arith.addf %get3A_304, %add3A_306 : vector<1x16xf32>
      %mul3A_308 = arith.constant 3.906250e-03 : f32
      %mul3A_309 = vector.broadcast %mul3A_308 : f32 to vector<1x16xf32>
      %mul3A_310 = arith.mulf %add3A_307, %mul3A_309 : vector<1x16xf32>
      %floor3A = math.floor %mul3A_310 : vector<1x16xf32>
      %iota3A_311 = tpu.iota {dimensions = array<i32: 0>} : vector<16x16xi32>
      %iota3A_312 = tpu.iota {dimensions = array<i32: 1>} : vector<16x16xi32>
      %le3A = arith.cmpi sle, %iota3A_311, %iota3A_312 : vector<16x16xi32>
      %convert_element_type3A_313 = arith.extui %le3A : vector<16x16xi1> to vector<16x16xi32>
      %convert_element_type3A_314 = arith.sitofp %convert_element_type3A_313 : vector<16x16xi32> to vector<16x16xf32>
      %dot_general3A_315 = arith.constant dense<0.000000e+00> : vector<1x16xf32>
      %dot_general3A_316 = tpu.matmul %floor3A, %convert_element_type3A_314, %dot_general3A_315 {dimension_numbers = #tpu.dot_dimension_numbers<[1], [0], [0], [1], [0, 0, 1, 1], [], []>, transpose_lhs_hint = false} : vector<1x16xf32>, vector<16x16xf32>, vector<1x16xf32> -> vector<1x16xf32>
      %sub3A_317 = arith.subf %dot_general3A_316, %floor3A : vector<1x16xf32>
      %mul3A_318 = arith.constant 2.560000e+02 : f32
      %mul3A_319 = vector.broadcast %mul3A_318 : f32 to vector<1x16xf32>
      %mul3A_320 = arith.mulf %sub3A_317, %mul3A_319 : vector<1x16xf32>
      %swap3A_321 = arith.constant 0 : index
      %swap3A_322 = arith.constant 0 : index
      %swap3A_323 = vector.load %arg6[%swap3A_321, %swap3A_322] : memref<1x16xf32, #tpu.memory_space<vmem>>, vector<1x16xf32>
      tpu.vector_store %arg6[%swap3A_321, %swap3A_322], %mul3A_320 {strides = array<i32>} : memref<1x16xf32, #tpu.memory_space<vmem>>, vector<1x16xf32>,
      %reduce_sum3A_324 = arith.constant dense<0.000000e+00> : vector<1xf32>
      %reduce_sum3A_325 = vector.multi_reduction <add>, %floor3A, %reduce_sum3A_324 [1] : vector<1x16xf32> to vector<1xf32>
      %broadcast_in_dim3A_326 = vector.shape_cast %reduce_sum3A_325 : vector<1xf32> to vector<1x1xf32>
      %eq3A_327 = arith.cmpi eq, %iota3A_311, %iota3A_312 : vector<16x16xi32>
      %convert_element_type3A_328 = arith.extui %eq3A_327 : vector<16x16xi1> to vector<16x16xi32>
      %convert_element_type3A_329 = arith.sitofp %convert_element_type3A_328 : vector<16x16xi32> to vector<16x16xf32>
      %dot_general3A_330 = arith.constant dense<0.000000e+00> : vector<16x1xf32>
      %dot_general3A_331 = tpu.matmul %convert_element_type3A_329, %sub3A_317, %dot_general3A_330 {dimension_numbers = #tpu.dot_dimension_numbers<[1], [1], [0], [0], [0, 0, 1, 0], [], []>, transpose_lhs_hint = false} : vector<16x16xf32>, vector<1x16xf32>, vector<16x1xf32> -> vector<16x1xf32>
      %iota3A_332 = tpu.iota {dimensions = array<i32: 1>} : vector<16x64xi32>
      %convert_element_type3A_333 = arith.sitofp %iota3A_332 : vector<16x64xi32> to vector<16x64xf32>
      %ge3A = vector.broadcast %dot_general3A_331 : vector<16x1xf32> to vector<16x64xf32>
      %ge3A_334 = arith.cmpf oge, %convert_element_type3A_333, %ge3A : vector<16x64xf32>
      %convert_element_type3A_335 = arith.extui %ge3A_334 : vector<16x64xi1> to vector<16x64xi32>
      %convert_element_type3A_336 = arith.sitofp %convert_element_type3A_335 : vector<16x64xi32> to vector<16x64xf32>
      %broadcast_in_dim3A_337 = arith.constant 1.000000e+00 : f32
      %broadcast_in_dim3A_338 = vector.broadcast %broadcast_in_dim3A_337 : f32 to vector<1x16xf32>
      %dot_general3A_339 = arith.constant dense<0.000000e+00> : vector<1x64xf32>
      %dot_general3A_340 = tpu.matmul %broadcast_in_dim3A_338, %convert_element_type3A_336, %dot_general3A_339 {dimension_numbers = #tpu.dot_dimension_numbers<[1], [0], [0], [1], [0, 0, 1, 1], [], []>, transpose_lhs_hint = false} : vector<1x16xf32>, vector<16x64xf32>, vector<1x64xf32> -> vector<1x64xf32>
      %sub3A_341 = arith.constant 1.000000e+00 : f32
      %sub3A_342 = vector.broadcast %sub3A_341 : f32 to vector<1x64xf32>
      %sub3A_343 = arith.subf %dot_general3A_340, %sub3A_342 : vector<1x64xf32>
      %lt3A = vector.broadcast %broadcast_in_dim3A_326 : vector<1x1xf32> to vector<1x16xf32>
      %lt3A_344 = arith.cmpf olt, %sub3A_317, %lt3A : vector<1x16xf32>
      %convert_element_type3A_345 = arith.extui %lt3A_344 : vector<1x16xi1> to vector<1x16xi32>
      %convert_element_type3A_346 = arith.sitofp %convert_element_type3A_345 : vector<1x16xi32> to vector<1x16xf32>
      %reduce_sum3A_347 = arith.constant dense<0.000000e+00> : vector<1xf32>
      %reduce_sum3A_348 = vector.multi_reduction <add>, %convert_element_type3A_346, %reduce_sum3A_347 [1] : vector<1x16xf32> to vector<1xf32>
      %broadcast_in_dim3A_349 = vector.shape_cast %reduce_sum3A_348 : vector<1xf32> to vector<1x1xf32>
      %sub3A_350 = arith.constant 1.000000e+00 : f32
      %sub3A_351 = vector.broadcast %sub3A_350 : f32 to vector<1x1xf32>
      %sub3A_352 = arith.subf %broadcast_in_dim3A_349, %sub3A_351 : vector<1x1xf32>
      %min3A = vector.broadcast %sub3A_352 : vector<1x1xf32> to vector<1x64xf32>
      %min3A_353 = arith.minimumf %sub3A_343, %min3A : vector<1x64xf32>
      %iota3A_354 = tpu.iota {dimensions = array<i32: 1>} : vector<1x64xi32>
      %eq3A_355 = arith.constant 48 : i32
      %eq3A_356 = vector.broadcast %eq3A_355 : i32 to vector<1x64xi32>
      %eq3A_357 = arith.cmpi eq, %iota3A_354, %eq3A_356 : vector<1x64xi32>
      %broadcast_in_dim3A_358 = vector.shape_cast %broadcast_in_dim3A_326 : vector<1x1xf32> to vector<1x1xf32>
      %broadcast_in_dim3A_359 = vector.broadcast %broadcast_in_dim3A_358 : vector<1x1xf32> to vector<1x64xf32>
      %select_n3A_360 = arith.select %eq3A_357, %broadcast_in_dim3A_359, %min3A_353 : vector<1x64xi1>, vector<1x64xf32>
      %convert_element_type3A_361 = arith.fptosi %select_n3A_360 : vector<1x64xf32> to vector<1x64xi32>
      %swap3A_362 = arith.constant 0 : index
      %swap3A_363 = arith.constant 0 : index
      %swap3A_364 = vector.load %arg7[%swap3A_362, %swap3A_363] : memref<1x64xi32, #tpu.memory_space<vmem>>, vector<1x64xi32>
      tpu.vector_store %arg7[%swap3A_362, %swap3A_363], %convert_element_type3A_361 {strides = array<i32>} : memref<1x64xi32, #tpu.memory_space<vmem>>, vector<1x64xi32>,
    } else {
    }
    return
  }
  func.func @transform_0(%arg0: i32) -> (i32, i32) {
    %c0_i32 = arith.constant 0 : i32
    %c0_i32_0 = arith.constant 0 : i32
    return %arg0, %c0_i32 : i32, i32
  }
  func.func @transform_1(%arg0: i32) -> (i32, i32) {
    %c0_i32 = arith.constant 0 : i32
    %c0_i32_0 = arith.constant 0 : i32
    %c0_i32_1 = arith.constant 0 : i32
    return %c0_i32, %c0_i32_0 : i32, i32
  }
  func.func @transform_2(%arg0: i32) -> (i32, i32) {
    %c0_i32 = arith.constant 0 : i32
    %c0_i32_0 = arith.constant 0 : i32
    %c0_i32_1 = arith.constant 0 : i32
    return %c0_i32, %c0_i32_0 : i32, i32
  }
  func.func @transform_3(%arg0: i32) -> (i32, i32) {
    %c0_i32 = arith.constant 0 : i32
    %c0_i32_0 = arith.constant 0 : i32
    return %arg0, %c0_i32 : i32, i32
  }
  func.func @transform_4(%arg0: i32) -> (i32, i32) {
    %c0_i32 = arith.constant 0 : i32
    %c0_i32_0 = arith.constant 0 : i32
    return %arg0, %c0_i32 : i32, i32
  }
  func.func @transform_5(%arg0: i32) -> (i32, i32) {
    %c0_i32 = arith.constant 0 : i32
    %c0_i32_0 = arith.constant 0 : i32
    %c0_i32_1 = arith.constant 0 : i32
    return %c0_i32, %c0_i32_0 : i32, i32
  }
  func.func @transform_6(%arg0: i32) -> (i32, i32) {
    %c0_i32 = arith.constant 0 : i32
    %c0_i32_0 = arith.constant 0 : i32
    %c0_i32_1 = arith.constant 0 : i32
    return %c0_i32, %c0_i32_0 : i32, i32
  }
}

module attributes {stable_mosaic.version = 14 : i64} {
  func.func @_slot_body(%arg0: i32, %arg1: memref<256x2xi32, #tpu.memory_space<vmem>>, %arg2: memref<1x16xf32, #tpu.memory_space<vmem>>, %arg3: memref<2x256x1xi32, #tpu.memory_space<vmem>>, %arg4: memref<1x16xf32, #tpu.memory_space<vmem>>) attributes {dimension_semantics = [#tpu.dimension_semantics<arbitrary>], iteration_bounds = array<i64: 8>, scalar_prefetch = 0 : i64, scratch_operands = 1 : i64, tpu.core_type = #tpu.core_type<tc>, window_params = [{transform_indices = @transform_0, window_bounds = array<i64: 256, 2>}, {pipeline_mode = #tpu.pipeline_mode<synchronous>, transform_indices = @transform_1, window_bounds = array<i64: 1, 16>}, {transform_indices = @transform_2, window_bounds = array<i64: 2, 256, 1>}]} {
    %eq3A = arith.constant 0 : i32
    %eq3A_0 = arith.cmpi eq, %arg0, %eq3A : i32
    %convert_element_type3A = arith.extui %eq3A_0 : i1 to i32
    %cond3A = arith.constant 0 : i32
    %cond3A_1 = arith.cmpi ne, %convert_element_type3A, %cond3A : i32
    scf.if %cond3A_1 {
      %broadcast_in_dim3A_67 = arith.constant 0.000000e+00 : f32
      %broadcast_in_dim3A_68 = vector.broadcast %broadcast_in_dim3A_67 : f32 to vector<1x16xf32>
      %swap3A_69 = arith.constant 0 : index
      %swap3A_70 = arith.constant 0 : index
      %swap3A_71 = vector.load %arg4[%swap3A_69, %swap3A_70] : memref<1x16xf32, #tpu.memory_space<vmem>>, vector<1x16xf32>
      tpu.vector_store %arg4[%swap3A_69, %swap3A_70], %broadcast_in_dim3A_68 {strides = array<i32>} : memref<1x16xf32, #tpu.memory_space<vmem>>, vector<1x16xf32>,
    } else {
    }
    %iota3A = tpu.iota {dimensions = array<i32: 1>} : vector<256x16xi32>
    %iota3A_2 = tpu.iota {dimensions = array<i32: 0>} : vector<256x256xi32>
    %iota3A_3 = tpu.iota {dimensions = array<i32: 1>} : vector<256x256xi32>
    %lt3A = arith.cmpi slt, %iota3A_3, %iota3A_2 : vector<256x256xi32>
    %convert_element_type3A_4 = arith.extui %lt3A : vector<256x256xi1> to vector<256x256xi32>
    %convert_element_type3A_5 = arith.sitofp %convert_element_type3A_4 : vector<256x256xi32> to vector<256x256xf32>
    %get3A = arith.constant 0 : index
    %get3A_6 = arith.constant 0 : index
    %get3A_7 = vector.load %arg2[%get3A, %get3A_6] : memref<1x16xf32, #tpu.memory_space<vmem>>, vector<1x16xf32>
    %get3A_8 = arith.constant 0 : index
    %get3A_9 = arith.constant 0 : index
    %get3A_10 = vector.load %arg1[%get3A_8, %get3A_9] : memref<256x2xi32, #tpu.memory_space<vmem>>, vector<256x1xi32>
    %eq3A_11 = vector.broadcast %get3A_10 : vector<256x1xi32> to vector<256x16xi32>
    %eq3A_12 = arith.cmpi eq, %eq3A_11, %iota3A : vector<256x16xi32>
    %convert_element_type3A_13 = arith.extui %eq3A_12 : vector<256x16xi1> to vector<256x16xi32>
    %convert_element_type3A_14 = arith.sitofp %convert_element_type3A_13 : vector<256x16xi32> to vector<256x16xf32>
    %get3A_15 = arith.constant 0 : index
    %get3A_16 = arith.constant 1 : index
    %get3A_17 = vector.load %arg1[%get3A_15, %get3A_16] : memref<256x2xi32, #tpu.memory_space<vmem>>, vector<256x1xi32>
    %eq3A_18 = vector.broadcast %get3A_17 : vector<256x1xi32> to vector<256x16xi32>
    %eq3A_19 = arith.cmpi eq, %eq3A_18, %iota3A : vector<256x16xi32>
    %convert_element_type3A_20 = arith.extui %eq3A_19 : vector<256x16xi1> to vector<256x16xi32>
    %convert_element_type3A_21 = arith.sitofp %convert_element_type3A_20 : vector<256x16xi32> to vector<256x16xf32>
    %dot_general3A = arith.constant dense<0.000000e+00> : vector<256x16xf32>
    %dot_general3A_22 = tpu.matmul %convert_element_type3A_5, %convert_element_type3A_14, %dot_general3A {dimension_numbers = #tpu.dot_dimension_numbers<[1], [0], [0], [1], [0, 0, 1, 1], [], []>, transpose_lhs_hint = false} : vector<256x256xf32>, vector<256x16xf32>, vector<256x16xf32> -> vector<256x16xf32>
    %get3A_23 = arith.constant 0 : index
    %get3A_24 = arith.constant 0 : index
    %get3A_25 = vector.load %arg4[%get3A_23, %get3A_24] : memref<1x16xf32, #tpu.memory_space<vmem>>, vector<1x16xf32>
    %add3A = vector.broadcast %get3A_25 : vector<1x16xf32> to vector<256x16xf32>
    %add3A_26 = arith.addf %dot_general3A_22, %add3A : vector<256x16xf32>
    %add3A_27 = vector.broadcast %get3A_7 : vector<1x16xf32> to vector<256x16xf32>
    %add3A_28 = arith.addf %add3A_26, %add3A_27 : vector<256x16xf32>
    %mul3A = arith.mulf %add3A_28, %convert_element_type3A_14 : vector<256x16xf32>
    %reduce_sum3A = arith.constant dense<0.000000e+00> : vector<256xf32>
    %reduce_sum3A_29 = vector.multi_reduction <add>, %mul3A, %reduce_sum3A [1] : vector<256x16xf32> to vector<256xf32>
    %broadcast_in_dim3A = vector.shape_cast %reduce_sum3A_29 : vector<256xf32> to vector<256x1xf32>
    %get3A_30 = arith.constant 0 : index
    %get3A_31 = arith.constant 0 : index
    %get3A_32 = vector.load %arg4[%get3A_30, %get3A_31] : memref<1x16xf32, #tpu.memory_space<vmem>>, vector<1x16xf32>
    %reduce_sum3A_33 = arith.constant dense<0.000000e+00> : vector<16xf32>
    %reduce_sum3A_34 = vector.multi_reduction <add>, %convert_element_type3A_14, %reduce_sum3A_33 [0] : vector<256x16xf32> to vector<16xf32>
    %broadcast_in_dim3A_35 = vector.shape_cast %reduce_sum3A_34 : vector<16xf32> to vector<1x16xf32>
    %add3A_36 = arith.addf %get3A_32, %broadcast_in_dim3A_35 : vector<1x16xf32>
    %dot_general3A_37 = arith.constant dense<0.000000e+00> : vector<256x16xf32>
    %dot_general3A_38 = tpu.matmul %convert_element_type3A_5, %convert_element_type3A_21, %dot_general3A_37 {dimension_numbers = #tpu.dot_dimension_numbers<[1], [0], [0], [1], [0, 0, 1, 1], [], []>, transpose_lhs_hint = false} : vector<256x256xf32>, vector<256x16xf32>, vector<256x16xf32> -> vector<256x16xf32>
    %add3A_39 = vector.broadcast %add3A_36 : vector<1x16xf32> to vector<256x16xf32>
    %add3A_40 = arith.addf %dot_general3A_38, %add3A_39 : vector<256x16xf32>
    %add3A_41 = vector.broadcast %get3A_7 : vector<1x16xf32> to vector<256x16xf32>
    %add3A_42 = arith.addf %add3A_40, %add3A_41 : vector<256x16xf32>
    %mul3A_43 = arith.mulf %add3A_42, %convert_element_type3A_21 : vector<256x16xf32>
    %reduce_sum3A_44 = arith.constant dense<0.000000e+00> : vector<256xf32>
    %reduce_sum3A_45 = vector.multi_reduction <add>, %mul3A_43, %reduce_sum3A_44 [1] : vector<256x16xf32> to vector<256xf32>
    %broadcast_in_dim3A_46 = vector.shape_cast %reduce_sum3A_45 : vector<256xf32> to vector<256x1xf32>
    %reduce_sum3A_47 = arith.constant dense<0.000000e+00> : vector<16xf32>
    %reduce_sum3A_48 = vector.multi_reduction <add>, %convert_element_type3A_21, %reduce_sum3A_47 [0] : vector<256x16xf32> to vector<16xf32>
    %broadcast_in_dim3A_49 = vector.shape_cast %reduce_sum3A_48 : vector<16xf32> to vector<1x16xf32>
    %add3A_50 = arith.addf %add3A_36, %broadcast_in_dim3A_49 : vector<1x16xf32>
    %swap3A = arith.constant 0 : index
    %swap3A_51 = arith.constant 0 : index
    %swap3A_52 = vector.load %arg4[%swap3A, %swap3A_51] : memref<1x16xf32, #tpu.memory_space<vmem>>, vector<1x16xf32>
    tpu.vector_store %arg4[%swap3A, %swap3A_51], %add3A_50 {strides = array<i32>} : memref<1x16xf32, #tpu.memory_space<vmem>>, vector<1x16xf32>,
    %convert_element_type3A_53 = arith.fptosi %broadcast_in_dim3A : vector<256x1xf32> to vector<256x1xi32>
    %swap3A_54 = arith.constant 0 : index
    %swap3A_55 = arith.constant 0 : index
    %swap3A_56 = arith.constant 0 : index
    %swap3A_57 = vector.load %arg3[%swap3A_54, %swap3A_55, %swap3A_56] : memref<2x256x1xi32, #tpu.memory_space<vmem>>, vector<1x256x1xi32>
    %swap3A_58 = vector.shape_cast %swap3A_57 : vector<1x256x1xi32> to vector<256x1xi32>
    %swap3A_59 = vector.shape_cast %convert_element_type3A_53 : vector<256x1xi32> to vector<1x256x1xi32>
    tpu.vector_store %arg3[%swap3A_54, %swap3A_55, %swap3A_56], %swap3A_59 {strides = array<i32>} : memref<2x256x1xi32, #tpu.memory_space<vmem>>, vector<1x256x1xi32>,
    %convert_element_type3A_60 = arith.fptosi %broadcast_in_dim3A_46 : vector<256x1xf32> to vector<256x1xi32>
    %swap3A_61 = arith.constant 1 : index
    %swap3A_62 = arith.constant 0 : index
    %swap3A_63 = arith.constant 0 : index
    %swap3A_64 = vector.load %arg3[%swap3A_61, %swap3A_62, %swap3A_63] : memref<2x256x1xi32, #tpu.memory_space<vmem>>, vector<1x256x1xi32>
    %swap3A_65 = vector.shape_cast %swap3A_64 : vector<1x256x1xi32> to vector<256x1xi32>
    %swap3A_66 = vector.shape_cast %convert_element_type3A_60 : vector<256x1xi32> to vector<1x256x1xi32>
    tpu.vector_store %arg3[%swap3A_61, %swap3A_62, %swap3A_63], %swap3A_66 {strides = array<i32>} : memref<2x256x1xi32, #tpu.memory_space<vmem>>, vector<1x256x1xi32>,
    return
  }
  func.func @transform_0(%arg0: i32) -> (i32, i32) {
    %c0_i32 = arith.constant 0 : i32
    %c0_i32_0 = arith.constant 0 : i32
    return %arg0, %c0_i32 : i32, i32
  }
  func.func @transform_1(%arg0: i32) -> (i32, i32) {
    %c0_i32 = arith.constant 0 : i32
    %c0_i32_0 = arith.constant 0 : i32
    %c0_i32_1 = arith.constant 0 : i32
    return %c0_i32, %c0_i32_0 : i32, i32
  }
  func.func @transform_2(%arg0: i32) -> (i32, i32, i32) {
    %c0_i32 = arith.constant 0 : i32
    %c0_i32_0 = arith.constant 0 : i32
    %c0_i32_1 = arith.constant 0 : i32
    return %c0_i32, %arg0, %c0_i32_0 : i32, i32, i32
  }
}

module attributes {stable_mosaic.version = 14 : i64} {
  func.func @_shared_body(%arg0: i32, %arg1: memref<256x1024xf32, #tpu.memory_space<vmem>>, %arg2: memref<1024x1024xf32, #tpu.memory_space<vmem>>, %arg3: memref<1024x1024xf32, #tpu.memory_space<vmem>>, %arg4: memref<256x1024xf32, #tpu.memory_space<vmem>>) attributes {dimension_semantics = [#tpu.dimension_semantics<arbitrary>], iteration_bounds = array<i64: 8>, scalar_prefetch = 0 : i64, scratch_operands = 0 : i64, tpu.core_type = #tpu.core_type<tc>, window_params = [{transform_indices = @transform_0, window_bounds = array<i64: 256, 1024>}, {pipeline_mode = #tpu.pipeline_mode<synchronous>, transform_indices = @transform_1, window_bounds = array<i64: 1024, 1024>}, {pipeline_mode = #tpu.pipeline_mode<synchronous>, transform_indices = @transform_2, window_bounds = array<i64: 1024, 1024>}, {transform_indices = @transform_3, window_bounds = array<i64: 256, 1024>}]} {
    %get3A = arith.constant 0 : index
    %get3A_0 = arith.constant 0 : index
    %get3A_1 = vector.load %arg1[%get3A, %get3A_0] : memref<256x1024xf32, #tpu.memory_space<vmem>>, vector<256x1024xf32>
    %get3A_2 = arith.constant 0 : index
    %get3A_3 = arith.constant 0 : index
    %get3A_4 = vector.load %arg2[%get3A_2, %get3A_3] : memref<1024x1024xf32, #tpu.memory_space<vmem>>, vector<1024x1024xf32>
    %dot_general3A = arith.constant dense<0.000000e+00> : vector<256x1024xf32>
    %dot_general3A_5 = tpu.matmul %get3A_1, %get3A_4, %dot_general3A {dimension_numbers = #tpu.dot_dimension_numbers<[1], [1], [0], [0], [0, 0, 1, 0], [], []>, transpose_lhs_hint = false} : vector<256x1024xf32>, vector<1024x1024xf32>, vector<256x1024xf32> -> vector<256x1024xf32>
    %max3A = arith.constant 0.000000e+00 : f32
    %max3A_6 = vector.broadcast %max3A : f32 to vector<256x1024xf32>
    %max3A_7 = arith.maximumf %dot_general3A_5, %max3A_6 : vector<256x1024xf32>
    %mul3A = arith.mulf %max3A_7, %max3A_7 : vector<256x1024xf32>
    %get3A_8 = arith.constant 0 : index
    %get3A_9 = arith.constant 0 : index
    %get3A_10 = vector.load %arg3[%get3A_8, %get3A_9] : memref<1024x1024xf32, #tpu.memory_space<vmem>>, vector<1024x1024xf32>
    %dot_general3A_11 = arith.constant dense<0.000000e+00> : vector<256x1024xf32>
    %dot_general3A_12 = tpu.matmul %mul3A, %get3A_10, %dot_general3A_11 {dimension_numbers = #tpu.dot_dimension_numbers<[1], [1], [0], [0], [0, 0, 1, 0], [], []>, transpose_lhs_hint = false} : vector<256x1024xf32>, vector<1024x1024xf32>, vector<256x1024xf32> -> vector<256x1024xf32>
    %swap3A = arith.constant 0 : index
    %swap3A_13 = arith.constant 0 : index
    %swap3A_14 = vector.load %arg4[%swap3A, %swap3A_13] : memref<256x1024xf32, #tpu.memory_space<vmem>>, vector<256x1024xf32>
    tpu.vector_store %arg4[%swap3A, %swap3A_13], %dot_general3A_12 {strides = array<i32>} : memref<256x1024xf32, #tpu.memory_space<vmem>>, vector<256x1024xf32>,
    return
  }
  func.func @transform_0(%arg0: i32) -> (i32, i32) {
    %c0_i32 = arith.constant 0 : i32
    %c0_i32_0 = arith.constant 0 : i32
    return %arg0, %c0_i32 : i32, i32
  }
  func.func @transform_1(%arg0: i32) -> (i32, i32) {
    %c0_i32 = arith.constant 0 : i32
    %c0_i32_0 = arith.constant 0 : i32
    %c0_i32_1 = arith.constant 0 : i32
    return %c0_i32, %c0_i32_0 : i32, i32
  }
  func.func @transform_2(%arg0: i32) -> (i32, i32) {
    %c0_i32 = arith.constant 0 : i32
    %c0_i32_0 = arith.constant 0 : i32
    %c0_i32_1 = arith.constant 0 : i32
    return %c0_i32, %c0_i32_0 : i32, i32
  }
  func.func @transform_3(%arg0: i32) -> (i32, i32) {
    %c0_i32 = arith.constant 0 : i32
    %c0_i32_0 = arith.constant 0 : i32
    return %arg0, %c0_i32 : i32, i32
  }
}

module attributes {stable_mosaic.version = 14 : i64} {
  func.func @_combine_body(%arg0: i32, %arg1: memref<256x1024xf32, #tpu.memory_space<vmem>>, %arg2: memref<256x1024xf32, #tpu.memory_space<vmem>>, %arg3: memref<256x1024xf32, #tpu.memory_space<vmem>>, %arg4: memref<256x2xf32, #tpu.memory_space<vmem>>, %arg5: memref<256x1024xf32, #tpu.memory_space<vmem>>) attributes {dimension_semantics = [#tpu.dimension_semantics<arbitrary>], iteration_bounds = array<i64: 8>, scalar_prefetch = 0 : i64, scratch_operands = 0 : i64, tpu.core_type = #tpu.core_type<tc>, window_params = [{transform_indices = @transform_0, window_bounds = array<i64: 256, 1024>}, {transform_indices = @transform_1, window_bounds = array<i64: 256, 1024>}, {transform_indices = @transform_2, window_bounds = array<i64: 256, 1024>}, {transform_indices = @transform_3, window_bounds = array<i64: 256, 2>}, {transform_indices = @transform_4, window_bounds = array<i64: 256, 1024>}]} {
    %get3A = arith.constant 0 : index
    %get3A_0 = arith.constant 0 : index
    %get3A_1 = vector.load %arg4[%get3A, %get3A_0] : memref<256x2xf32, #tpu.memory_space<vmem>>, vector<256x2xf32>
    %get3A_2 = arith.constant 0 : index
    %get3A_3 = arith.constant 0 : index
    %get3A_4 = vector.load %arg1[%get3A_2, %get3A_3] : memref<256x1024xf32, #tpu.memory_space<vmem>>, vector<256x1024xf32>
    %slice3A = vector.extract_strided_slice %get3A_1 {offsets = [0, 0], sizes = [256, 1], strides = [1, 1]} : vector<256x2xf32> to vector<256x1xf32>
    %get3A_5 = arith.constant 0 : index
    %get3A_6 = arith.constant 0 : index
    %get3A_7 = vector.load %arg2[%get3A_5, %get3A_6] : memref<256x1024xf32, #tpu.memory_space<vmem>>, vector<256x1024xf32>
    %mul3A = vector.broadcast %slice3A : vector<256x1xf32> to vector<256x1024xf32>
    %mul3A_8 = arith.mulf %mul3A, %get3A_7 : vector<256x1024xf32>
    %add3A = arith.addf %get3A_4, %mul3A_8 : vector<256x1024xf32>
    %slice3A_9 = vector.extract_strided_slice %get3A_1 {offsets = [0, 1], sizes = [256, 1], strides = [1, 1]} : vector<256x2xf32> to vector<256x1xf32>
    %get3A_10 = arith.constant 0 : index
    %get3A_11 = arith.constant 0 : index
    %get3A_12 = vector.load %arg3[%get3A_10, %get3A_11] : memref<256x1024xf32, #tpu.memory_space<vmem>>, vector<256x1024xf32>
    %mul3A_13 = vector.broadcast %slice3A_9 : vector<256x1xf32> to vector<256x1024xf32>
    %mul3A_14 = arith.mulf %mul3A_13, %get3A_12 : vector<256x1024xf32>
    %add3A_15 = arith.addf %add3A, %mul3A_14 : vector<256x1024xf32>
    %swap3A = arith.constant 0 : index
    %swap3A_16 = arith.constant 0 : index
    %swap3A_17 = vector.load %arg5[%swap3A, %swap3A_16] : memref<256x1024xf32, #tpu.memory_space<vmem>>, vector<256x1024xf32>
    tpu.vector_store %arg5[%swap3A, %swap3A_16], %add3A_15 {strides = array<i32>} : memref<256x1024xf32, #tpu.memory_space<vmem>>, vector<256x1024xf32>,
    return
  }
  func.func @transform_0(%arg0: i32) -> (i32, i32) {
    %c0_i32 = arith.constant 0 : i32
    %c0_i32_0 = arith.constant 0 : i32
    return %arg0, %c0_i32 : i32, i32
  }
  func.func @transform_1(%arg0: i32) -> (i32, i32) {
    %c0_i32 = arith.constant 0 : i32
    %c0_i32_0 = arith.constant 0 : i32
    return %arg0, %c0_i32 : i32, i32
  }
  func.func @transform_2(%arg0: i32) -> (i32, i32) {
    %add3A = arith.constant 8 : i32
    %add3A_0 = arith.addi %arg0, %add3A : i32
    %c0_i32 = arith.constant 0 : i32
    %c0_i32_1 = arith.constant 0 : i32
    return %add3A_0, %c0_i32 : i32, i32
  }
  func.func @transform_3(%arg0: i32) -> (i32, i32) {
    %c0_i32 = arith.constant 0 : i32
    %c0_i32_0 = arith.constant 0 : i32
    return %arg0, %c0_i32 : i32, i32
  }
  func.func @transform_4(%arg0: i32) -> (i32, i32) {
    %c0_i32 = arith.constant 0 : i32
    %c0_i32_0 = arith.constant 0 : i32
    return %arg0, %c0_i32 : i32, i32
  }
}

module attributes {stable_mosaic.version = 14 : i64} {
  func.func @_expert_body(%arg0: i32, %arg1: memref<1x64xi32, #tpu.memory_space<smem>>, %arg2: memref<256x1024xf32, #tpu.memory_space<vmem>>, %arg3: memref<1x512x1024xf32, #tpu.memory_space<vmem>>, %arg4: memref<1x1024x512xf32, #tpu.memory_space<vmem>>, %arg5: memref<256x1024xf32, #tpu.memory_space<vmem>>) attributes {dimension_semantics = [#tpu.dimension_semantics<arbitrary>], iteration_bounds = array<i64: 32>, scalar_prefetch = 1 : i64, scratch_operands = 0 : i64, tpu.core_type = #tpu.core_type<tc>, window_params = [{transform_indices = @transform_0, window_bounds = array<i64: 256, 1024>}, {transform_indices = @transform_1, window_bounds = array<i64: 1, 512, 1024>}, {transform_indices = @transform_2, window_bounds = array<i64: 1, 1024, 512>}, {transform_indices = @transform_3, window_bounds = array<i64: 256, 1024>}]} {
    %get3A = arith.constant 0 : index
    %get3A_0 = arith.constant 48 : index
    %get3A_1 = memref.load %arg1[%get3A, %get3A_0] : memref<1x64xi32, #tpu.memory_space<smem>>
    %lt3A = arith.cmpi slt, %arg0, %get3A_1 : i32
    %convert_element_type3A = arith.extui %lt3A : i1 to i32
    %cond3A = arith.constant 0 : i32
    %cond3A_2 = arith.cmpi ne, %convert_element_type3A, %cond3A : i32
    scf.if %cond3A_2 {
      %get3A_3 = arith.constant 0 : index
      %get3A_4 = arith.constant 0 : index
      %get3A_5 = vector.load %arg2[%get3A_3, %get3A_4] : memref<256x1024xf32, #tpu.memory_space<vmem>>, vector<256x1024xf32>
      %get3A_6 = arith.constant 0 : index
      %get3A_7 = arith.constant 0 : index
      %get3A_8 = arith.constant 0 : index
      %get3A_9 = vector.load %arg3[%get3A_6, %get3A_7, %get3A_8] : memref<1x512x1024xf32, #tpu.memory_space<vmem>>, vector<1x512x1024xf32>
      %get3A_10 = vector.shape_cast %get3A_9 : vector<1x512x1024xf32> to vector<512x1024xf32>
      %dot_general3A = arith.constant dense<0.000000e+00> : vector<256x512xf32>
      %dot_general3A_11 = tpu.matmul %get3A_5, %get3A_10, %dot_general3A {dimension_numbers = #tpu.dot_dimension_numbers<[1], [1], [0], [0], [0, 0, 1, 0], [], []>, transpose_lhs_hint = false} : vector<256x1024xf32>, vector<512x1024xf32>, vector<256x512xf32> -> vector<256x512xf32>
      %max3A = arith.constant 0.000000e+00 : f32
      %max3A_12 = vector.broadcast %max3A : f32 to vector<256x512xf32>
      %max3A_13 = arith.maximumf %dot_general3A_11, %max3A_12 : vector<256x512xf32>
      %mul3A = arith.mulf %max3A_13, %max3A_13 : vector<256x512xf32>
      %get3A_14 = arith.constant 0 : index
      %get3A_15 = arith.constant 0 : index
      %get3A_16 = arith.constant 0 : index
      %get3A_17 = vector.load %arg4[%get3A_14, %get3A_15, %get3A_16] : memref<1x1024x512xf32, #tpu.memory_space<vmem>>, vector<1x1024x512xf32>
      %get3A_18 = vector.shape_cast %get3A_17 : vector<1x1024x512xf32> to vector<1024x512xf32>
      %dot_general3A_19 = arith.constant dense<0.000000e+00> : vector<256x1024xf32>
      %dot_general3A_20 = tpu.matmul %mul3A, %get3A_18, %dot_general3A_19 {dimension_numbers = #tpu.dot_dimension_numbers<[1], [1], [0], [0], [0, 0, 1, 0], [], []>, transpose_lhs_hint = false} : vector<256x512xf32>, vector<1024x512xf32>, vector<256x1024xf32> -> vector<256x1024xf32>
      %swap3A = arith.constant 0 : index
      %swap3A_21 = arith.constant 0 : index
      %swap3A_22 = vector.load %arg5[%swap3A, %swap3A_21] : memref<256x1024xf32, #tpu.memory_space<vmem>>, vector<256x1024xf32>
      tpu.vector_store %arg5[%swap3A, %swap3A_21], %dot_general3A_20 {strides = array<i32>} : memref<256x1024xf32, #tpu.memory_space<vmem>>, vector<256x1024xf32>,
    } else {
    }
    return
  }
  func.func @transform_0(%arg0: i32, %arg1: memref<1x64xi32, #tpu.memory_space<smem>>) -> (i32, i32) {
    %get3A = arith.constant 0 : index
    %get3A_0 = arith.constant 48 : index
    %get3A_1 = memref.load %arg1[%get3A, %get3A_0] : memref<1x64xi32, #tpu.memory_space<smem>>
    %sub3A = arith.constant 1 : i32
    %sub3A_2 = arith.subi %get3A_1, %sub3A : i32
    %min3A = arith.minsi %arg0, %sub3A_2 : i32
    %c0_i32 = arith.constant 0 : i32
    %c0_i32_3 = arith.constant 0 : i32
    return %min3A, %c0_i32 : i32, i32
  }
  func.func @transform_1(%arg0: i32, %arg1: memref<1x64xi32, #tpu.memory_space<smem>>) -> (i32, i32, i32) {
    %get3A = arith.constant 0 : index
    %get3A_0 = arith.index_cast %arg0 : i32 to index
    %get3A_1 = memref.load %arg1[%get3A, %get3A_0] : memref<1x64xi32, #tpu.memory_space<smem>>
    %c0_i32 = arith.constant 0 : i32
    %c0_i32_2 = arith.constant 0 : i32
    %c0_i32_3 = arith.constant 0 : i32
    return %get3A_1, %c0_i32, %c0_i32_2 : i32, i32, i32
  }
  func.func @transform_2(%arg0: i32, %arg1: memref<1x64xi32, #tpu.memory_space<smem>>) -> (i32, i32, i32) {
    %get3A = arith.constant 0 : index
    %get3A_0 = arith.index_cast %arg0 : i32 to index
    %get3A_1 = memref.load %arg1[%get3A, %get3A_0] : memref<1x64xi32, #tpu.memory_space<smem>>
    %c0_i32 = arith.constant 0 : i32
    %c0_i32_2 = arith.constant 0 : i32
    %c0_i32_3 = arith.constant 0 : i32
    return %get3A_1, %c0_i32, %c0_i32_2 : i32, i32, i32
  }
  func.func @transform_3(%arg0: i32, %arg1: memref<1x64xi32, #tpu.memory_space<smem>>) -> (i32, i32) {
    %get3A = arith.constant 0 : index
    %get3A_0 = arith.constant 48 : index
    %get3A_1 = memref.load %arg1[%get3A, %get3A_0] : memref<1x64xi32, #tpu.memory_space<smem>>
    %sub3A = arith.constant 1 : i32
    %sub3A_2 = arith.subi %get3A_1, %sub3A : i32
    %min3A = arith.minsi %arg0, %sub3A_2 : i32
    %c0_i32 = arith.constant 0 : i32
    %c0_i32_3 = arith.constant 0 : i32
    return %min3A, %c0_i32 : i32, i32
  }
}

</mosaic_0001>

<sc_bundles>
// kernel: kernel.12.cloned.1.call-start
scs
__scs_entry_jumppad:
0x0: {  	(pc) =	sbr.rel $0x88, $3  }
0x1: {  	(tag) =	ssettag $0x0;
	lr =	simm.s32 $0x1  }
0x2: {  	[smem:$0x3F9A] =	sst lr;
	_ =	strace $0xD0000000  }
0x3: {  	_ = 	snop  }
0x4: {  	_ = 	snop  }
0x5: {  	_ = 	snop  }
0x6: {  	_ = 	snop  }
0x7: {  	_ = 	snop  }
__scs_overlays_trampoline_lowered:
0x8: {  	[smem:$0x3FA9] =	sst s0  }
0x9: {  	[smem:$0x3FAA] =	sst s1  }
0xa: {  	[smem:$0x3FAB] =	sst s2  }
0xb: {  	[smem:$0x3FAC] =	sst s3  }
0xc: {  	[smem:$0x3FAD] =	sst s4  }
0xd: {  	[smem:$0x3FAE] =	sst s5  }
0xe: {  	[smem:$0x3FAF] =	sst s6  }
0xf: {  	[smem:$0x3FB0] =	sst s7  }
0x10: {  	[smem:$0x3FB1] =	sst s8  }
0x11: {  	[smem:$0x3FB2] =	sst s9;
	s0 =	simm.s32 @!p0 $0x0  }
0x12: {  	s1 =	sld [smem:$0x3F98];
	s0 =	simm.s32 @p0 $0x1  }
0x13: {  	[smem:$0x3FB3] =	sst s0;
	s0 =	simm.s32 @!p1 $0x0  }
0x14: {  	s2 =	sld [smem:$0x3F97];
	s0 =	simm.s32 @p1 $0x1  }
0x15: {  	[smem:$0x3FB4] =	sst s0;
	s0 =	simm.s32 @!p2 $0x0  }
0x16: {  	s3 =	sld [smem:$0x3FDB];
	s0 =	simm.s32 @p2 $0x1  }
0x17: {  	s4 =	simm.s32 $0x1BF5;
	[smem:$0x3FB6] =	sst s0  }
0x18: {  	s0 =	sld [smem:$0x3F99];
	_ =	swait.ge [sflag:s4], $0x0  }
0x19: {  	s7 =	sld [smem:$0x3F9A]  }
0x1a: {  	s8 =	sadd.s32 $0xFFFFE003, lr  }
0x1b: {  	s9 =	sadd.s32 $0xFFFFFEF7, lr;
	s5 =	simm.s32 $0xFFFFFFFF;
	p2 =	slt.u32 s8, $0xFFFFF086  }
0x1c: {  	p1 =	slt.u32 s9, $0xF7A;
	s5 =	simm.s32 @!p2 $0x0  }
0x1d: {  	s5 =	simm.s32 @p1 $0x1;
	p0 =	seq.s32 s7, s2  }
0x1e: {  	s7 =	smul.u32 @!p0 $0xF7A, s2;
	p2 =	seq.s32 @!p0 s5, $0x0  }
0x1f: {  	s9 =	smul.u32 $0xF7A, s1;
	s8 =	simm.s32 @!p0 $0x1BF5;
	p2 =	por !p2, p0  }
0x20: {  	[sflag:s8] =	ssyncset.s32 @!p0 $0xFFFFF086;
	s6 =	sadd.s32 @!p0 s3, s7;
	s7 =	simm.s32 @!p0 $0x108  }
0x21: {  	s3 =	sadd.s32 s3, s9;
	s6 =	sadd.s32 @!p0 $0x88, s6;
	s7 =	simm.s32 @p2 $0x1082  }
0x22: {  	[simem:s7], [sflag:s8] =	dma.local @!p0 [hbm:s6], $0xF7A  }
0x23: {  	s9 =	sor.u32 $0xD0000000, s2;
	s6 =	simm.s32 $0x108;
	_ =	swait.ge @!p0 [sflag:s8], $0x0  }
0x24: {  	s3 =	sadd.s32 $0x88, s3;
	s6 =	simm.s32 @!p1 $0x1082;
	[sflag:s4] =	ssyncset.s32 $0xFFFFF086  }
0x25: {  	[simem:s6], [sflag:s4] =	dma.local [hbm:s3], $0xF7A  }
0x26: {  	[smem:$0x3F9A] =	sst s1;
	(tag) =	ssettag s2;
	_ =	strace s9  }
0x27: {  	s1 =	sld [smem:$0x3FAA]  }
0x28: {  	s2 =	sld [smem:$0x3FAB]  }
0x29: {  	s4 =	sld [smem:$0x3FAD]  }
0x2a: {  	p0 =	seq.s32 s5, $0x0;
	s5 =	sld [smem:$0x3FAE]  }
0x2b: {  	s6 =	sld [smem:$0x3FAF]  }
0x2c: {  	s7 =	sld [smem:$0x3FB0]  }
0x2d: {  	s3 =	simm.s32 $0x108;
	s8 =	sld [smem:$0x3FB1]  }
0x2e: {  	s3 =	simm.s32 @!p0 $0x1082;
	s9 =	sld [smem:$0x3FB2]  }
0x2f: {  	lr =	sadd.s32 s0, s3;
	s0 =	sld [smem:$0x3FA9]  }
0x30: {  	s3 =	sld [smem:$0x3FAC]  }
0x31: {  	[smem:$0x3FB5] =	sst s10  }
0x32: {  	s10 =	sld [smem:$0x3FB3];
	_ =	sdelay $0x3  }
0x33: {  	p0 =	seq.s32 s10, $0x1;
	s10 =	sld [smem:$0x3FB5];
	_ =	sdelay $0x3  }
0x34: {  	[smem:$0x3FB5] =	sst s10  }
0x35: {  	s10 =	sld [smem:$0x3FB4];
	_ =	sdelay $0x3  }
0x36: {  	p1 =	seq.s32 s10, $0x1;
	s10 =	sld [smem:$0x3FB5];
	_ =	sdelay $0x3  }
0x37: {  	[smem:$0x3FB5] =	sst s10  }
0x38: {  	s10 =	sld [smem:$0x3FB6]  }
0x39: {  	_ = 	snop;
	(pc) =	sbr.ind lr, $3  }
0x3a: {  	_ = 	snop  }
0x3b: {  	_ = 	snop  }
0x3c: {  	p2 =	seq.s32 s10, $0x1;
	s10 =	sld [smem:$0x3FB5]  }
0x3d: {  	_ =	shalt  }
0x3e: {  	_ =	shalt  }
0x3f: {  	_ =	shalt  }
0x40: {  	_ =	shalt  }
0x41: {  	_ =	shalt  }
0x42: {  	_ =	shalt  }
0x43: {  	_ =	shalt  }
0x44: {  	_ =	shalt  }
0x45: {  	_ =	shalt  }
0x46: {  	_ =	shalt  }
0x47: {  	_ =	shalt  }
0x48: {  	_ =	shalt  }
0x49: {  	_ =	shalt  }
0x4a: {  	_ =	shalt  }
0x4b: {  	_ =	shalt  }
0x4c: {  	_ =	shalt  }
0x4d: {  	_ =	shalt  }
0x4e: {  	_ =	shalt  }
0x4f: {  	_ =	shalt  }
0x50: {  	_ =	shalt  }
0x51: {  	_ =	shalt  }
0x52: {  	_ =	shalt  }
0x53: {  	_ =	shalt  }
0x54: {  	_ =	shalt  }
0x55: {  	_ =	shalt  }
0x56: {  	_ =	shalt  }
0x57: {  	_ =	shalt  }
0x58: {  	_ =	shalt  }
0x59: {  	_ =	shalt  }
0x5a: {  	_ =	shalt  }
0x5b: {  	_ =	shalt  }
0x5c: {  	_ =	shalt  }
0x5d: {  	_ =	shalt  }
0x5e: {  	_ =	shalt  }
0x5f: {  	_ =	shalt  }
0x60: {  	_ =	shalt  }
0x61: {  	_ =	shalt  }
0x62: {  	_ =	shalt  }
0x63: {  	_ =	shalt  }
0x64: {  	_ =	shalt  }
0x65: {  	_ =	shalt  }
0x66: {  	_ =	shalt  }
0x67: {  	_ =	shalt  }
0x68: {  	_ =	shalt  }
0x69: {  	_ =	shalt  }
0x6a: {  	_ =	shalt  }
0x6b: {  	_ =	shalt  }
0x6c: {  	_ =	shalt  }
0x6d: {  	_ =	shalt  }
0x6e: {  	_ =	shalt  }
0x6f: {  	_ =	shalt  }
0x70: {  	_ =	shalt  }
0x71: {  	_ =	shalt  }
0x72: {  	_ =	shalt  }
0x73: {  	_ =	shalt  }
0x74: {  	_ =	shalt  }
0x75: {  	_ =	shalt  }
0x76: {  	_ =	shalt  }
0x77: {  	_ =	shalt  }
0x78: {  	_ =	shalt  }
0x79: {  	_ =	shalt  }
0x7a: {  	_ =	shalt  }
0x7b: {  	_ =	shalt  }
0x7c: {  	_ =	shalt  }
0x7d: {  	_ =	shalt  }
0x7e: {  	_ =	shalt  }
0x7f: {  	_ =	shalt  }
0x80: {  	_ =	shalt  }
0x81: {  	_ =	shalt  }
0x82: {  	_ =	shalt  }
0x83: {  	_ =	shalt  }
0x84: {  	_ =	shalt  }
0x85: {  	_ =	shalt  }
0x86: {  	_ =	shalt  }
0x87: {  	_ =	shalt  }
.Lfunc_end0:
.L_simem_size_0:
called_computation.1_lowered:
.L_overlay_start_0:
0x88: {  	s2 =	sld [smem:$0x3FD9]  }
0x89: {  	s3 =	sld [smem:$0x3FFE];
	_ =	sdelay $0x1  }
0x8a: {  	s1 =	srdreg.scid  }
0x8b: {  	s0 =	sand.u32 $0x1, s1  }
0x8c: {  	s16 =	sshll.u32 s0, $0xA;
	s2 =	sadd.s32 s3, s2  }
0x8d: {  	s2 =	sadd.s32 s2, s16  }
0x8e: {  	[smem:$0x3FC1] =	sst s2  }
0x8f: {  	_ = 	snop  }
0x90: {  	(tm) =	ssettm $0x1  }
0x91: {  	s17 =	sld [smem:$0x3FFB];
	_ =	sdelay $0x3  }
0x92: {  	_ =	strace s17  }
0x93: {  	s2 =	sld [smem:$0x3FFC];
	_ =	sdelay $0x3  }
0x94: {  	_ =	strace s2  }
0x95: {  	s2 =	sld [smem:$0x3FFD];
	_ =	sdelay $0x3  }
0x96: {  	_ =	strace s2  }
0x97: {  	_ =	strace $0x8FFFFFFF  }
0x98: {  	s18 =	sld [smem:$0x3FDB];
	_ =	sdelay $0x1  }
0x99: {  	s19 =	simm.s32 $_scs_section_size  }
0x9a: {  	s4 =	simm.s32 $_size__tile_overlayer_lowered;
	s5 =	simm.s32 $_tile_overlayer_lowered  }
0x9b: {  	s22 =	simm.s32 $0x1BFF;
	s21 =	sshll.u32 s5, $0x1;
	s2 =	sadd.s32 s19, s18  }
0x9c: {  	s6 =	simm.s32 $0x0;
	s20 =	sshll.u32 s4, $0x1;
	s4 =	sadd.s32 s21, s2  }
0x9d: {  	[timem:s6], [sflag:s22] =	dma.local [hbm:s4], s20  }
0x9e: {  	_ =	swait.ge [sflag:s22], s20  }
0x9f: {  	s3 =	ssub.s32 $0x0, s20;
	[sflag:s22] =	ssyncset.done $0x0  }
0xa0: {  	[sflag:s22] =	ssyncadd.s32 s3;
	_ =	sdelay $0x1  }
0xa1: {  	s23 =	simm.s32 $0x1B8B  }
0xa2: {  	_ =	swait.ge [sflag:s23], $0x1  }
0xa3: {  	[sflag:s23] =	ssyncset.done $0x0  }
0xa4: {  	s25 =	simm.s32 $0x1B8E;
	s24 =	sld [smem:$0x3FFE];
	[sflag:s23] =	ssyncadd.s32 $0xFFFFFFFF  }
0xa5: {  	s26 =	simm.s32 $execute0_lowered;
	[smem:$0x3FD2] =	sst s25  }
0xa6: {  	s4 =	sshll.u32 s26, $0x1;
	_ =	strace $0x80000049;
	[dreg:$0x1] =	wrdreg $0xFFFFFFFF  }
0xa7: {  	s28 =	simm.s32 $_size_execute0_lowered;
	s2 =	sadd.s32 s2, s4;
	[dreg:$0x0] =	wrdreg $0x0  }
0xa8: {  	s4 =	sshll.u32 s28, $0x1;
	[dreg:$0x2] =	wrdreg s2  }
0xa9: {  	[dreg:$0x3] =	wrdreg s4  }
0xaa: {  	[dreg:$0x4] =	wrdreg $0xC0  }
0xab: {  	_ =	task [dreg:s6], $0x5FFFF  }
0xac: {  	[dreg:$0x1] =	wrdreg $0xFFFFFFFF  }
0xad: {  	[dreg:$0x0] =	wrdreg $0x60  }
0xae: {  	[dreg:$0x2] =	wrdreg s24  }
0xaf: {  	[dreg:$0x3] =	wrdreg $0x9  }
0xb0: {  	_ =	task.clear_ibuf [dreg:s6], $0x4FFFF;
	_ =	strace $0x90000049  }
0xb1: {  	s29 =	simm.s32 $0x9;
	_ =	strace $0x8000004B  }
0xb2: {  	_ =	swait.ge [sflag:s29], $0x1  }
0xb3: {  	[sflag:s29] =	ssyncadd.s32 $0xFFFFFFFF  }
0xb4: {  	_ =	strace $0x9000004B  }
0xb5: {  	_ =	sfence  }
0xb6: {  	s30 =	sld [smem:$0x0];
	_ =	sdelay $0x2  }
0xb7: {  	s31 =	sshll.u32 s1, $0xD;
	s1 =	sshrl.u32 s1, $0x2  }
0xb8: {  	s3 =	sand.u32 $0x4000, s31;
	s1 =	sadd.s32 s1, s30  }
0xb9: {  	s0 =	sor.u32 s3, s0;
	s1 =	sshll.u32 s1, $0x11  }
0xba: {  	s0 =	sor.u32 s1, s0  }
0xbb: {  	s0 =	sadd.s32 $0x8F2B, s0  }
0xbc: {  	[sflag:s0] =	ssyncadd.remote.s32 $0x1  }
0xbd: {  	_ =	sfence.sel $0xFFFF  }
0xbe: {  	[dreg:$0x0] =	wrdreg $0xFFFFFFFF;
	(pc) =	sbr.abs _section_cstart, $3  }
0xbf: {  	[dreg:$0x1] =	wrdreg $0xFFFFFFFF  }
0xc0: {  	_ =	task.clear_ibuf [dreg:s6], $0x2FFFF;
	_ =	strace $0x9FFFFFFF  }
0xc1: {  	(tm) =	ssettm $0x7FFFFFFF  }
tec
execute0_lowered:
.L_overlay_start_1:
0x0: {  	(tag) =	ssettag $0x1  }
0x1: {  	s0 =	rddreg [dreg:$0x0];
	s1 =	srdreg.scid  }
0x2: {  	s2 =	simm.s32 $0x0;
	s3 =	stileid.u32;
	s18 =	simm.s32 $0x1  }
0x3: {  	s20 =	simm.s32 $0x880;
	s21 =	simm.s32 $0x1080;
	s22 =	simm.s32 $0x1880  }
0x4: {  	s23 =	simm.s32 $0x2080;
	s28 =	simm.s32 $0x4080;
	s29 =	simm.s32 $0x4880  }
0x5: {  	s30 =	simm.s32 $0x5080;
	s31 =	simm.s32 $0x5880;
	s11 =	simm.s32 $0x7880  }
0x6: {  	s12 =	simm.s32 $0x8080;
	s13 =	simm.s32 $0x8880;
	s14 =	simm.s32 $0x9080  }
0x7: {  	s15 =	simm.s32 $0x9880;
	s16 =	simm.s32 $0xA080;
	s17 =	simm.s32 $0xA880  }
0x8: {  	s1 =	sand.u32 $0x1, s1;
	[smem:$0x7FF] =	sst s2;
	s3 =	sshll.u32 s3, $0x8  }
0x9: {  	s6 =	sadd.s32 $0x100800, s0;
	s8 =	sadd.s32 $0x600, s0;
	s4 =	sshll.u32 s1, $0x7  }
0xa: {  	_ =	strace $0x8000004A;
	s1 =	ssub.s32 $0x2, s1;
	s5 =	sor.u32 s4, s3  }
0xb: {  	s3 =	sadd.s32 $0x100A00, s0;
	s7 =	sshrl.u32 s1, $0x1;
	s4 =	sshrl.u32 s5, $0x3  }
0xc: {  	s1 =	ssub.s32 s1, s7;
	s24 =	sshll.u32 s5, $0x7;
	s9 =	sor.u32 $0x40, s5  }
0xd: {  	s5 =	sadd.s32 $0x100C00, s0;
	s4 =	sadd.s32 s6, s4;
	s7 =	sadd.s32 s8, s24  }
0xe: {  	s10 =	sshrl.u32 s9, $0x3;
	s9 =	sshll.u32 s9, $0x7;
	[dreg:$0x2] =	wrdreg s4  }
0xf: {  	s24 =	simm.s32 $0x2880;
	s4 =	sadd.s32 $0x100B00, s0;
	[dreg:$0x3] =	wrdreg s7  }
0x10: {  	s25 =	sadd.s32 s6, s10;
	s6 =	sadd.s32 $0x100D00, s0;
	s26 =	sadd.s32 s8, s9  }
0x11: {  	v2 =	vlaneseq.u32;
	s7 =	smax.u32 s1, $0x1;
	s8 =	simm.s32 $0x2;
	s0 =	simm.s32 $0x80  }
0x12: {  	vm0 =	vmmov $0xffff;
	v1 =	vshrl.u32 v2, $0x3;
	s10 =	simm.s32 $0x7080;
	s9 =	simm.s32 $0xB080;
	[dreg:$0x4] =	wrdreg s25  }
0x13: {  	v0 =	vand.u32 $0x7, v2;
	v2 =	vor.u32 $0x8, v2;
	v1 =	vmul.u32 $0x8, v1;
	[dreg:$0x5] =	wrdreg s26;
	s25 =	simm.s32 $0x3080;
	s26 =	simm.s32 $0x3880  }
.LBB2_1:
0x14: {  	s19 =	rddreg [dreg:$0x2]  }
0x15: {  	[tilespmem:s2], [sflag:$0x2] =	stream.linear.gather [hbm4b:s19+s2], $0x40, $0x38;
	[tilespmem:$0x10080] =	vst v63  }
0x16: {  	_ =	swait.ge [sflag:s8], $0x40  }
0x17: {  	[sflag:s8] =	ssyncset.done $0x0  }
0x18: {  	[sflag:s8] =	ssyncadd.s32 $0xFFFFFFC0  }
0x19: {  	v3 =	vld [tilespmem:$0x0];
	_ =	sdelay $0x4  }
0x1a: {  	v4 =	vshll.u32 v3, $0x3  }
0x1b: {  	v3 =	vand.u32 $0x7, v3;
	v4 =	vand.u32 $0xFFFFFFC0, v4  }
0x1c: {  	v3 =	vor.u32 v3, v4  }
0x1d: {  	v4 =	vperm.xlane v3, v0;
	_ =	sdelay $0x1  }
0x1e: {  	v4 =	vadd.s32 v1, v4;
	_ =	sdelay $0x4  }
0x1f: {  	[tilespmem:s0], [sflag:$0x1] =	stream.indirect_vreg.gather [hbm4b:s3+s2], $0x80, v4, vm0, $0xb8;
	[tilespmem:$0x10080] =	vst v63  }
0x20: {  	v3 =	vperm.xlane v3, v2  }
0x21: {  	[tilespmem:s20], [sflag:$0x1] =	stream.indirect_vreg.gather [hbm4b:s4+s2], $0x80, v4, vm0, $0xb8;
	[tilespmem:$0x10080] =	vst v63  }
0x22: {  	v3 =	vadd.s32 v1, v3  }
0x23: {  	[tilespmem:s21], [sflag:$0x1] =	stream.indirect_vreg.gather [hbm4b:s5+s2], $0x80, v4, vm0, $0xb8;
	[tilespmem:$0x10080] =	vst v63  }
0x24: {  	_ = 	snop  }
0x25: {  	[tilespmem:s22], [sflag:$0x1] =	stream.indirect_vreg.gather [hbm4b:s6+s2], $0x80, v4, vm0, $0xb8;
	[tilespmem:$0x10080] =	vst v63  }
0x26: {  	_ = 	snop  }
0x27: {  	[tilespmem:s23], [sflag:$0x1] =	stream.indirect_vreg.gather [hbm4b:s3+s2], $0x80, v3, vm0, $0xb8;
	[tilespmem:$0x10080] =	vst v63  }
0x28: {  	_ = 	snop  }
0x29: {  	[tilespmem:s24], [sflag:$0x1] =	stream.indirect_vreg.gather [hbm4b:s4+s2], $0x80, v3, vm0, $0xb8;
	[tilespmem:$0x10080] =	vst v63  }
0x2a: {  	_ = 	snop  }
0x2b: {  	[tilespmem:s25], [sflag:$0x1] =	stream.indirect_vreg.gather [hbm4b:s5+s2], $0x80, v3, vm0, $0xb8;
	[tilespmem:$0x10080] =	vst v63  }
0x2c: {  	_ = 	snop  }
0x2d: {  	[tilespmem:s26], [sflag:$0x1] =	stream.indirect_vreg.gather [hbm4b:s6+s2], $0x80, v3, vm0, $0xb8;
	[tilespmem:$0x10080] =	vst v63  }
0x2e: {  	v3 =	vld [tilespmem:$0x10];
	_ =	sdelay $0x4  }
0x2f: {  	v57 =	vshll.u32 v3, $0x3  }
0x30: {  	v3 =	vand.u32 $0x7, v3;
	v4 =	vand.u32 $0xFFFFFFC0, v57  }
0x31: {  	v3 =	vor.u32 v3, v4  }
0x32: {  	v4 =	vperm.xlane v3, v0;
	_ =	sdelay $0x1  }
0x33: {  	v4 =	vadd.s32 v1, v4;
	_ =	sdelay $0x4  }
0x34: {  	[tilespmem:s28], [sflag:$0x1] =	stream.indirect_vreg.gather [hbm4b:s3+s2], $0x80, v4, vm0, $0xb8;
	[tilespmem:$0x10080] =	vst v63  }
0x35: {  	v3 =	vperm.xlane v3, v2  }
0x36: {  	[tilespmem:s29], [sflag:$0x1] =	stream.indirect_vreg.gather [hbm4b:s4+s2], $0x80, v4, vm0, $0xb8;
	[tilespmem:$0x10080] =	vst v63  }
0x37: {  	v3 =	vadd.s32 v1, v3  }
0x38: {  	[tilespmem:s30], [sflag:$0x1] =	stream.indirect_vreg.gather [hbm4b:s5+s2], $0x80, v4, vm0, $0xb8;
	[tilespmem:$0x10080] =	vst v63  }
0x39: {  	_ = 	snop  }
0x3a: {  	[tilespmem:s31], [sflag:$0x1] =	stream.indirect_vreg.gather [hbm4b:s6+s2], $0x80, v4, vm0, $0xb8;
	[tilespmem:$0x10080] =	vst v63  }
0x3b: {  	s1 =	simm.s32 $0x6080  }
0x3c: {  	[tilespmem:s1], [sflag:$0x1] =	stream.indirect_vreg.gather [hbm4b:s3+s2], $0x80, v3, vm0, $0xb8;
	[tilespmem:$0x10080] =	vst v63  }
0x3d: {  	s1 =	simm.s32 $0x6880  }
0x3e: {  	[tilespmem:s1], [sflag:$0x1] =	stream.indirect_vreg.gather [hbm4b:s4+s2], $0x80, v3, vm0, $0xb8;
	[tilespmem:$0x10080] =	vst v63  }
0x3f: {  	_ = 	snop  }
0x40: {  	[tilespmem:s10], [sflag:$0x1] =	stream.indirect_vreg.gather [hbm4b:s5+s2], $0x80, v3, vm0, $0xb8;
	[tilespmem:$0x10080] =	vst v63  }
0x41: {  	_ = 	snop  }
0x42: {  	[tilespmem:s11], [sflag:$0x1] =	stream.indirect_vreg.gather [hbm4b:s6+s2], $0x80, v3, vm0, $0xb8;
	[tilespmem:$0x10080] =	vst v63  }
0x43: {  	v3 =	vld [tilespmem:$0x20];
	_ =	sdelay $0x4  }
0x44: {  	v58 =	vshll.u32 v3, $0x3  }
0x45: {  	v3 =	vand.u32 $0x7, v3;
	v4 =	vand.u32 $0xFFFFFFC0, v58  }
0x46: {  	v3 =	vor.u32 v3, v4  }
0x47: {  	v4 =	vperm.xlane v3, v0;
	_ =	sdelay $0x1  }
0x48: {  	v4 =	vadd.s32 v1, v4;
	_ =	sdelay $0x4  }
0x49: {  	[tilespmem:s12], [sflag:$0x1] =	stream.indirect_vreg.gather [hbm4b:s3+s2], $0x80, v4, vm0, $0xb8;
	[tilespmem:$0x10080] =	vst v63  }
0x4a: {  	v3 =	vperm.xlane v3, v2  }
0x4b: {  	[tilespmem:s13], [sflag:$0x1] =	stream.indirect_vreg.gather [hbm4b:s4+s2], $0x80, v4, vm0, $0xb8;
	[tilespmem:$0x10080] =	vst v63  }
0x4c: {  	v3 =	vadd.s32 v1, v3  }
0x4d: {  	[tilespmem:s14], [sflag:$0x1] =	stream.indirect_vreg.gather [hbm4b:s5+s2], $0x80, v4, vm0, $0xb8;
	[tilespmem:$0x10080] =	vst v63  }
0x4e: {  	_ = 	snop  }
0x4f: {  	[tilespmem:s15], [sflag:$0x1] =	stream.indirect_vreg.gather [hbm4b:s6+s2], $0x80, v4, vm0, $0xb8;
	[tilespmem:$0x10080] =	vst v63  }
0x50: {  	_ = 	snop  }
0x51: {  	[tilespmem:s16], [sflag:$0x1] =	stream.indirect_vreg.gather [hbm4b:s3+s2], $0x80, v3, vm0, $0xb8;
	[tilespmem:$0x10080] =	vst v63  }
0x52: {  	_ = 	snop  }
0x53: {  	[tilespmem:s17], [sflag:$0x1] =	stream.indirect_vreg.gather [hbm4b:s4+s2], $0x80, v3, vm0, $0xb8;
	[tilespmem:$0x10080] =	vst v63  }
0x54: {  	_ = 	snop  }
0x55: {  	[tilespmem:s9], [sflag:$0x1] =	stream.indirect_vreg.gather [hbm4b:s5+s2], $0x80, v3, vm0, $0xb8;
	[tilespmem:$0x10080] =	vst v63  }
0x56: {  	s19 =	simm.s32 $0xB880  }
0x57: {  	[tilespmem:s19], [sflag:$0x1] =	stream.indirect_vreg.gather [hbm4b:s6+s2], $0x80, v3, vm0, $0xb8;
	[tilespmem:$0x10080] =	vst v63  }
0x58: {  	v3 =	vld [tilespmem:$0x30];
	_ =	sdelay $0x4  }
0x59: {  	v59 =	vshll.u32 v3, $0x3  }
0x5a: {  	v3 =	vand.u32 $0x7, v3;
	v4 =	vand.u32 $0xFFFFFFC0, v59  }
0x5b: {  	v3 =	vor.u32 v3, v4  }
0x5c: {  	v4 =	vperm.xlane v3, v0;
	_ =	sdelay $0x1  }
0x5d: {  	v4 =	vadd.s32 v1, v4;
	_ =	sdelay $0x3  }
0x5e: {  	s19 =	simm.s32 $0xC080  }
0x5f: {  	[tilespmem:s19], [sflag:$0x1] =	stream.indirect_vreg.gather [hbm4b:s3+s2], $0x80, v4, vm0, $0xb8;
	[tilespmem:$0x10080] =	vst v63  }
0x60: {  	v3 =	vperm.xlane v3, v2;
	s19 =	simm.s32 $0xC880  }
0x61: {  	[tilespmem:s19], [sflag:$0x1] =	stream.indirect_vreg.gather [hbm4b:s4+s2], $0x80, v4, vm0, $0xb8;
	[tilespmem:$0x10080] =	vst v63  }
0x62: {  	v3 =	vadd.s32 v1, v3;
	s19 =	simm.s32 $0xD080  }
0x63: {  	[tilespmem:s19], [sflag:$0x1] =	stream.indirect_vreg.gather [hbm4b:s5+s2], $0x80, v4, vm0, $0xb8;
	[tilespmem:$0x10080] =	vst v63  }
0x64: {  	s19 =	simm.s32 $0xD880  }
0x65: {  	[tilespmem:s19], [sflag:$0x1] =	stream.indirect_vreg.gather [hbm4b:s6+s2], $0x80, v4, vm0, $0xb8;
	[tilespmem:$0x10080] =	vst v63  }
0x66: {  	s19 =	simm.s32 $0xE080  }
0x67: {  	[tilespmem:s19], [sflag:$0x1] =	stream.indirect_vreg.gather [hbm4b:s3+s2], $0x80, v3, vm0, $0xb8;
	[tilespmem:$0x10080] =	vst v63  }
0x68: {  	s19 =	simm.s32 $0xE880  }
0x69: {  	[tilespmem:s19], [sflag:$0x1] =	stream.indirect_vreg.gather [hbm4b:s4+s2], $0x80, v3, vm0, $0xb8;
	[tilespmem:$0x10080] =	vst v63  }
0x6a: {  	s19 =	simm.s32 $0xF080  }
0x6b: {  	[tilespmem:s19], [sflag:$0x1] =	stream.indirect_vreg.gather [hbm4b:s5+s2], $0x80, v3, vm0, $0xb8;
	[tilespmem:$0x10080] =	vst v63  }
0x6c: {  	s19 =	simm.s32 $0xF880  }
0x6d: {  	[tilespmem:s19], [sflag:$0x1] =	stream.indirect_vreg.gather [hbm4b:s6+s2], $0x80, v3, vm0, $0xb8;
	[tilespmem:$0x10080] =	vst v63  }
0x6e: {  	_ =	swait.ge [sflag:s18], $0x10000  }
0x6f: {  	[sflag:s18] =	ssyncset.done $0x0  }
0x70: {  	s19 =	rddreg [dreg:$0x3];
	[sflag:s18] =	ssyncadd.s32 $0xFFFF0000  }
0x71: {  	[hbm4b:s19+s2] =	stream.linear.scatter [tilespmem:s0], [sflag:$0x2], $0x10000, $0x38;
	[tilespmem:$0x10080] =	vst v63  }
0x72: {  	_ =	swait.ge [sflag:s8], $0x10000  }
0x73: {  	[sflag:s8] =	ssyncset.done $0x0  }
0x74: {  	s19 =	rddreg [dreg:$0x4];
	[sflag:s8] =	ssyncadd.s32 $0xFFFF0000  }
0x75: {  	[tilespmem:s2], [sflag:$0x2] =	stream.linear.gather [hbm4b:s19+s2], $0x40, $0x38;
	[tilespmem:$0x10080] =	vst v63  }
0x76: {  	_ =	swait.ge [sflag:s8], $0x40  }
0x77: {  	[sflag:s8] =	ssyncset.done $0x0  }
0x78: {  	[sflag:s8] =	ssyncadd.s32 $0xFFFFFFC0  }
0x79: {  	v3 =	vld [tilespmem:$0x0];
	_ =	sdelay $0x4  }
0x7a: {  	v60 =	vshll.u32 v3, $0x3  }
0x7b: {  	v3 =	vand.u32 $0x7, v3;
	v4 =	vand.u32 $0xFFFFFFC0, v60  }
0x7c: {  	v3 =	vor.u32 v3, v4  }
0x7d: {  	v4 =	vperm.xlane v3, v0;
	_ =	sdelay $0x1  }
0x7e: {  	v4 =	vadd.s32 v1, v4;
	_ =	sdelay $0x4  }
0x7f: {  	[tilespmem:s0], [sflag:$0x1] =	stream.indirect_vreg.gather [hbm4b:s3+s2], $0x80, v4, vm0, $0xb8;
	[tilespmem:$0x10080] =	vst v63  }
0x80: {  	v3 =	vperm.xlane v3, v2  }
0x81: {  	[tilespmem:s20], [sflag:$0x1] =	stream.indirect_vreg.gather [hbm4b:s4+s2], $0x80, v4, vm0, $0xb8;
	[tilespmem:$0x10080] =	vst v63  }
0x82: {  	v3 =	vadd.s32 v1, v3  }
0x83: {  	[tilespmem:s21], [sflag:$0x1] =	stream.indirect_vreg.gather [hbm4b:s5+s2], $0x80, v4, vm0, $0xb8;
	[tilespmem:$0x10080] =	vst v63  }
0x84: {  	_ = 	snop  }
0x85: {  	[tilespmem:s22], [sflag:$0x1] =	stream.indirect_vreg.gather [hbm4b:s6+s2], $0x80, v4, vm0, $0xb8;
	[tilespmem:$0x10080] =	vst v63  }
0x86: {  	_ = 	snop  }
0x87: {  	[tilespmem:s23], [sflag:$0x1] =	stream.indirect_vreg.gather [hbm4b:s3+s2], $0x80, v3, vm0, $0xb8;
	[tilespmem:$0x10080] =	vst v63  }
0x88: {  	_ = 	snop  }
0x89: {  	[tilespmem:s24], [sflag:$0x1] =	stream.indirect_vreg.gather [hbm4b:s4+s2], $0x80, v3, vm0, $0xb8;
	[tilespmem:$0x10080] =	vst v63  }
0x8a: {  	_ = 	snop  }
0x8b: {  	[tilespmem:s25], [sflag:$0x1] =	stream.indirect_vreg.gather [hbm4b:s5+s2], $0x80, v3, vm0, $0xb8;
	[tilespmem:$0x10080] =	vst v63  }
0x8c: {  	_ = 	snop  }
0x8d: {  	[tilespmem:s26], [sflag:$0x1] =	stream.indirect_vreg.gather [hbm4b:s6+s2], $0x80, v3, vm0, $0xb8;
	[tilespmem:$0x10080] =	vst v63  }
0x8e: {  	v3 =	vld [tilespmem:$0x10];
	_ =	sdelay $0x4  }
0x8f: {  	v61 =	vshll.u32 v3, $0x3  }
0x90: {  	v3 =	vand.u32 $0x7, v3;
	v4 =	vand.u32 $0xFFFFFFC0, v61  }
0x91: {  	v3 =	vor.u32 v3, v4  }
0x92: {  	v4 =	vperm.xlane v3, v0;
	_ =	sdelay $0x1  }
0x93: {  	v4 =	vadd.s32 v1, v4;
	_ =	sdelay $0x4  }
0x94: {  	[tilespmem:s28], [sflag:$0x1] =	stream.indirect_vreg.gather [hbm4b:s3+s2], $0x80, v4, vm0, $0xb8;
	[tilespmem:$0x10080] =	vst v63  }
0x95: {  	v3 =	vperm.xlane v3, v2  }
0x96: {  	[tilespmem:s29], [sflag:$0x1] =	stream.indirect_vreg.gather [hbm4b:s4+s2], $0x80, v4, vm0, $0xb8;
	[tilespmem:$0x10080] =	vst v63  }
0x97: {  	v3 =	vadd.s32 v1, v3  }
0x98: {  	[tilespmem:s30], [sflag:$0x1] =	stream.indirect_vreg.gather [hbm4b:s5+s2], $0x80, v4, vm0, $0xb8;
	[tilespmem:$0x10080] =	vst v63  }
0x99: {  	_ = 	snop  }
0x9a: {  	[tilespmem:s31], [sflag:$0x1] =	stream.indirect_vreg.gather [hbm4b:s6+s2], $0x80, v4, vm0, $0xb8;
	[tilespmem:$0x10080] =	vst v63  }
0x9b: {  	s19 =	simm.s32 $0x6080  }
0x9c: {  	[tilespmem:s19], [sflag:$0x1] =	stream.indirect_vreg.gather [hbm4b:s3+s2], $0x80, v3, vm0, $0xb8;
	[tilespmem:$0x10080] =	vst v63  }
0x9d: {  	_ = 	snop  }
0x9e: {  	[tilespmem:s1], [sflag:$0x1] =	stream.indirect_vreg.gather [hbm4b:s4+s2], $0x80, v3, vm0, $0xb8;
	[tilespmem:$0x10080] =	vst v63  }
0x9f: {  	_ = 	snop  }
0xa0: {  	[tilespmem:s10], [sflag:$0x1] =	stream.indirect_vreg.gather [hbm4b:s5+s2], $0x80, v3, vm0, $0xb8;
	[tilespmem:$0x10080] =	vst v63  }
0xa1: {  	_ = 	snop  }
0xa2: {  	[tilespmem:s11], [sflag:$0x1] =	stream.indirect_vreg.gather [hbm4b:s6+s2], $0x80, v3, vm0, $0xb8;
	[tilespmem:$0x10080] =	vst v63  }
0xa3: {  	v3 =	vld [tilespmem:$0x20];
	_ =	sdelay $0x4  }
0xa4: {  	v62 =	vshll.u32 v3, $0x3  }
0xa5: {  	v3 =	vand.u32 $0x7, v3;
	v4 =	vand.u32 $0xFFFFFFC0, v62  }
0xa6: {  	v3 =	vor.u32 v3, v4  }
0xa7: {  	v4 =	vperm.xlane v3, v0;
	_ =	sdelay $0x1  }
0xa8: {  	v4 =	vadd.s32 v1, v4;
	_ =	sdelay $0x4  }
0xa9: {  	[tilespmem:s12], [sflag:$0x1] =	stream.indirect_vreg.gather [hbm4b:s3+s2], $0x80, v4, vm0, $0xb8;
	[tilespmem:$0x10080] =	vst v63  }
0xaa: {  	v3 =	vperm.xlane v3, v2  }
0xab: {  	[tilespmem:s13], [sflag:$0x1] =	stream.indirect_vreg.gather [hbm4b:s4+s2], $0x80, v4, vm0, $0xb8;
	[tilespmem:$0x10080] =	vst v63  }
0xac: {  	v3 =	vadd.s32 v1, v3  }
0xad: {  	[tilespmem:s14], [sflag:$0x1] =	stream.indirect_vreg.gather [hbm4b:s5+s2], $0x80, v4, vm0, $0xb8;
	[tilespmem:$0x10080] =	vst v63  }
0xae: {  	_ = 	snop  }
0xaf: {  	[tilespmem:s15], [sflag:$0x1] =	stream.indirect_vreg.gather [hbm4b:s6+s2], $0x80, v4, vm0, $0xb8;
	[tilespmem:$0x10080] =	vst v63  }
0xb0: {  	_ = 	snop  }
0xb1: {  	[tilespmem:s16], [sflag:$0x1] =	stream.indirect_vreg.gather [hbm4b:s3+s2], $0x80, v3, vm0, $0xb8;
	[tilespmem:$0x10080] =	vst v63  }
0xb2: {  	_ = 	snop  }
0xb3: {  	[tilespmem:s17], [sflag:$0x1] =	stream.indirect_vreg.gather [hbm4b:s4+s2], $0x80, v3, vm0, $0xb8;
	[tilespmem:$0x10080] =	vst v63  }
0xb4: {  	_ = 	snop  }
0xb5: {  	[tilespmem:s9], [sflag:$0x1] =	stream.indirect_vreg.gather [hbm4b:s5+s2], $0x80, v3, vm0, $0xb8;
	[tilespmem:$0x10080] =	vst v63  }
0xb6: {  	s19 =	simm.s32 $0xB880  }
0xb7: {  	[tilespmem:s19], [sflag:$0x1] =	stream.indirect_vreg.gather [hbm4b:s6+s2], $0x80, v3, vm0, $0xb8;
	[tilespmem:$0x10080] =	vst v63  }
0xb8: {  	v3 =	vld [tilespmem:$0x30];
	_ =	sdelay $0x4  }
0xb9: {  	v63 =	vshll.u32 v3, $0x3  }
0xba: {  	v3 =	vand.u32 $0x7, v3;
	v4 =	vand.u32 $0xFFFFFFC0, v63  }
0xbb: {  	v3 =	vor.u32 v3, v4  }
0xbc: {  	v4 =	vperm.xlane v3, v0;
	_ =	sdelay $0x1  }
0xbd: {  	v4 =	vadd.s32 v1, v4;
	_ =	sdelay $0x3  }
0xbe: {  	s19 =	simm.s32 $0xC080  }
0xbf: {  	[tilespmem:s19], [sflag:$0x1] =	stream.indirect_vreg.gather [hbm4b:s3+s2], $0x80, v4, vm0, $0xb8;
	[tilespmem:$0x10080] =	vst v63  }
0xc0: {  	v3 =	vperm.xlane v3, v2;
	s19 =	simm.s32 $0xC880  }
0xc1: {  	[tilespmem:s19], [sflag:$0x1] =	stream.indirect_vreg.gather [hbm4b:s4+s2], $0x80, v4, vm0, $0xb8;
	[tilespmem:$0x10080] =	vst v63  }
0xc2: {  	v3 =	vadd.s32 v1, v3;
	s19 =	simm.s32 $0xD080  }
0xc3: {  	[tilespmem:s19], [sflag:$0x1] =	stream.indirect_vreg.gather [hbm4b:s5+s2], $0x80, v4, vm0, $0xb8;
	[tilespmem:$0x10080] =	vst v63  }
0xc4: {  	s19 =	simm.s32 $0xD880  }
0xc5: {  	[tilespmem:s19], [sflag:$0x1] =	stream.indirect_vreg.gather [hbm4b:s6+s2], $0x80, v4, vm0, $0xb8;
	[tilespmem:$0x10080] =	vst v63  }
0xc6: {  	s19 =	simm.s32 $0xE080  }
0xc7: {  	[tilespmem:s19], [sflag:$0x1] =	stream.indirect_vreg.gather [hbm4b:s3+s2], $0x80, v3, vm0, $0xb8;
	[tilespmem:$0x10080] =	vst v63  }
0xc8: {  	s19 =	simm.s32 $0xE880  }
0xc9: {  	[tilespmem:s19], [sflag:$0x1] =	stream.indirect_vreg.gather [hbm4b:s4+s2], $0x80, v3, vm0, $0xb8;
	[tilespmem:$0x10080] =	vst v63  }
0xca: {  	s19 =	simm.s32 $0xF080  }
0xcb: {  	[tilespmem:s19], [sflag:$0x1] =	stream.indirect_vreg.gather [hbm4b:s5+s2], $0x80, v3, vm0, $0xb8;
	[tilespmem:$0x10080] =	vst v63  }
0xcc: {  	s19 =	simm.s32 $0xF880  }
0xcd: {  	[tilespmem:s19], [sflag:$0x1] =	stream.indirect_vreg.gather [hbm4b:s6+s2], $0x80, v3, vm0, $0xb8;
	[tilespmem:$0x10080] =	vst v63  }
0xce: {  	_ =	swait.ge [sflag:s18], $0x10000  }
0xcf: {  	p0 =	sne.s32 s7, $0x1;
	[sflag:s18] =	ssyncset.done $0x0  }
.Ltmp0:
0xd0: {  	s1 =	rddreg [dreg:$0x5];
	[sflag:s18] =	ssyncadd.s32 $0xFFFF0000;
	(pc) =	sbr.rel @p0 .LBB2_1-.Ltmp0, $4  }
0xd1: {  	[hbm4b:s1+s2] =	stream.linear.scatter [tilespmem:s0], [sflag:$0x2], $0x10000, $0x38;
	[tilespmem:$0x10080] =	vst v63  }
0xd2: {  	_ =	swait.ge [sflag:s8], $0x10000  }
0xd3: {  	[sflag:s8] =	ssyncset.done $0x0  }
0xd4: {  	s7 =	sadd.s32 $0xFFFFFFFF, s7;
	[sflag:s8] =	ssyncadd.s32 $0xFFFF0000  }
0xd5: {  	_ =	sfence.sel $0x180000  }
0xd6: {  	[bflag:$0x0] =	sbarrier.arrive $0xFFFF  }
0xd7: {  	_ =	strace $0x9000004A  }
0xd8: {  	s0 =	stileid.u32;
	[bflag:$0x2] =	sbarrier.arrive $0xFFFF  }
0xd9: {  	p0 =	sne.s32 s0, $0x0;
	s0 =	rddreg [dreg:$0x1]  }
0xda: {  	s0 =	sadd.s32 @!p0 $0x100000, s0  }
0xdb: {  	[sflag:s0] =	ssyncadd.tile.s32 @!p0 $0x1;
	_ =	shalt  }
.Lfunc_end2:
_tile_overlayer_lowered:
.L_overlay_start_2:
0xdc: {  	(tag) =	ssettag $0x2  }
0xdd: {  	s0 =	rddreg [dreg:$0x0];
	s2 =	stileid.u32  }
0xde: {  	s1 =	rddreg [dreg:$0x1];
	p0 =	sne.s32 s2, $0x0  }
0xdf: {  	s3 =	rddreg [dreg:$0x2];
	[bflag:$0x3] =	sbarrier.arrive $0xFFFF;
	s2 =	simm.s32 @!p0 $0x1C02  }
0xe0: {  	[timem:s3], [sflag:s2] =	dma.local @!p0 [hbm:s0], s1  }
0xe1: {  	s0 =	simm.s32 @!p0 $0x2  }
0xe2: {  	_ =	swait.ge @!p0 [sflag:s0], s1  }
0xe3: {  	s1 =	ssub.s32 @!p0 $0x0, s1;
	[sflag:s0] =	ssyncset.done @!p0 $0x0  }
0xe4: {  	[sflag:s0] =	ssyncadd.s32 @!p0 s1  }
0xe5: {  	[bflag:$0x3] =	sbarrier.arrive $0xFFFF  }
0xe6: {  	_ =	shalt  }

// kernel: kernel.9.cloned.1.call-start
scs
__scs_entry_jumppad:
0x0: {  	(pc) =	sbr.rel $0x88, $3  }
0x1: {  	(tag) =	ssettag $0x0;
	lr =	simm.s32 $0x1  }
0x2: {  	[smem:$0x3F9A] =	sst lr;
	_ =	strace $0xD0000000  }
0x3: {  	_ = 	snop  }
0x4: {  	_ = 	snop  }
0x5: {  	_ = 	snop  }
0x6: {  	_ = 	snop  }
0x7: {  	_ = 	snop  }
__scs_overlays_trampoline_lowered:
0x8: {  	[smem:$0x3FA9] =	sst s0  }
0x9: {  	[smem:$0x3FAA] =	sst s1  }
0xa: {  	[smem:$0x3FAB] =	sst s2  }
0xb: {  	[smem:$0x3FAC] =	sst s3  }
0xc: {  	[smem:$0x3FAD] =	sst s4  }
0xd: {  	[smem:$0x3FAE] =	sst s5  }
0xe: {  	[smem:$0x3FAF] =	sst s6  }
0xf: {  	[smem:$0x3FB0] =	sst s7  }
0x10: {  	[smem:$0x3FB1] =	sst s8  }
0x11: {  	[smem:$0x3FB2] =	sst s9;
	s0 =	simm.s32 @!p0 $0x0  }
0x12: {  	s1 =	sld [smem:$0x3F98];
	s0 =	simm.s32 @p0 $0x1  }
0x13: {  	[smem:$0x3FB3] =	sst s0;
	s0 =	simm.s32 @!p1 $0x0  }
0x14: {  	s2 =	sld [smem:$0x3F97];
	s0 =	simm.s32 @p1 $0x1  }
0x15: {  	[smem:$0x3FB4] =	sst s0;
	s0 =	simm.s32 @!p2 $0x0  }
0x16: {  	s3 =	sld [smem:$0x3FDB];
	s0 =	simm.s32 @p2 $0x1  }
0x17: {  	s4 =	simm.s32 $0x1BF5;
	[smem:$0x3FB6] =	sst s0  }
0x18: {  	s0 =	sld [smem:$0x3F99];
	_ =	swait.ge [sflag:s4], $0x0  }
0x19: {  	s7 =	sld [smem:$0x3F9A]  }
0x1a: {  	s8 =	sadd.s32 $0xFFFFE003, lr  }
0x1b: {  	s9 =	sadd.s32 $0xFFFFFEF7, lr;
	s5 =	simm.s32 $0xFFFFFFFF;
	p2 =	slt.u32 s8, $0xFFFFF086  }
0x1c: {  	p1 =	slt.u32 s9, $0xF7A;
	s5 =	simm.s32 @!p2 $0x0  }
0x1d: {  	s5 =	simm.s32 @p1 $0x1;
	p0 =	seq.s32 s7, s2  }
0x1e: {  	s7 =	smul.u32 @!p0 $0xF7A, s2;
	p2 =	seq.s32 @!p0 s5, $0x0  }
0x1f: {  	s9 =	smul.u32 $0xF7A, s1;
	s8 =	simm.s32 @!p0 $0x1BF5;
	p2 =	por !p2, p0  }
0x20: {  	[sflag:s8] =	ssyncset.s32 @!p0 $0xFFFFF086;
	s6 =	sadd.s32 @!p0 s3, s7;
	s7 =	simm.s32 @!p0 $0x108  }
0x21: {  	s3 =	sadd.s32 s3, s9;
	s6 =	sadd.s32 @!p0 $0x88, s6;
	s7 =	simm.s32 @p2 $0x1082  }
0x22: {  	[simem:s7], [sflag:s8] =	dma.local @!p0 [hbm:s6], $0xF7A  }
0x23: {  	s9 =	sor.u32 $0xD0000000, s2;
	s6 =	simm.s32 $0x108;
	_ =	swait.ge @!p0 [sflag:s8], $0x0  }
0x24: {  	s3 =	sadd.s32 $0x88, s3;
	s6 =	simm.s32 @!p1 $0x1082;
	[sflag:s4] =	ssyncset.s32 $0xFFFFF086  }
0x25: {  	[simem:s6], [sflag:s4] =	dma.local [hbm:s3], $0xF7A  }
0x26: {  	[smem:$0x3F9A] =	sst s1;
	(tag) =	ssettag s2;
	_ =	strace s9  }
0x27: {  	s1 =	sld [smem:$0x3FAA]  }
0x28: {  	s2 =	sld [smem:$0x3FAB]  }
0x29: {  	s4 =	sld [smem:$0x3FAD]  }
0x2a: {  	p0 =	seq.s32 s5, $0x0;
	s5 =	sld [smem:$0x3FAE]  }
0x2b: {  	s6 =	sld [smem:$0x3FAF]  }
0x2c: {  	s7 =	sld [smem:$0x3FB0]  }
0x2d: {  	s3 =	simm.s32 $0x108;
	s8 =	sld [smem:$0x3FB1]  }
0x2e: {  	s3 =	simm.s32 @!p0 $0x1082;
	s9 =	sld [smem:$0x3FB2]  }
0x2f: {  	lr =	sadd.s32 s0, s3;
	s0 =	sld [smem:$0x3FA9]  }
0x30: {  	s3 =	sld [smem:$0x3FAC]  }
0x31: {  	[smem:$0x3FB5] =	sst s10  }
0x32: {  	s10 =	sld [smem:$0x3FB3];
	_ =	sdelay $0x3  }
0x33: {  	p0 =	seq.s32 s10, $0x1;
	s10 =	sld [smem:$0x3FB5];
	_ =	sdelay $0x3  }
0x34: {  	[smem:$0x3FB5] =	sst s10  }
0x35: {  	s10 =	sld [smem:$0x3FB4];
	_ =	sdelay $0x3  }
0x36: {  	p1 =	seq.s32 s10, $0x1;
	s10 =	sld [smem:$0x3FB5];
	_ =	sdelay $0x3  }
0x37: {  	[smem:$0x3FB5] =	sst s10  }
0x38: {  	s10 =	sld [smem:$0x3FB6]  }
0x39: {  	_ = 	snop;
	(pc) =	sbr.ind lr, $3  }
0x3a: {  	_ = 	snop  }
0x3b: {  	_ = 	snop  }
0x3c: {  	p2 =	seq.s32 s10, $0x1;
	s10 =	sld [smem:$0x3FB5]  }
0x3d: {  	_ =	shalt  }
0x3e: {  	_ =	shalt  }
0x3f: {  	_ =	shalt  }
0x40: {  	_ =	shalt  }
0x41: {  	_ =	shalt  }
0x42: {  	_ =	shalt  }
0x43: {  	_ =	shalt  }
0x44: {  	_ =	shalt  }
0x45: {  	_ =	shalt  }
0x46: {  	_ =	shalt  }
0x47: {  	_ =	shalt  }
0x48: {  	_ =	shalt  }
0x49: {  	_ =	shalt  }
0x4a: {  	_ =	shalt  }
0x4b: {  	_ =	shalt  }
0x4c: {  	_ =	shalt  }
0x4d: {  	_ =	shalt  }
0x4e: {  	_ =	shalt  }
0x4f: {  	_ =	shalt  }
0x50: {  	_ =	shalt  }
0x51: {  	_ =	shalt  }
0x52: {  	_ =	shalt  }
0x53: {  	_ =	shalt  }
0x54: {  	_ =	shalt  }
0x55: {  	_ =	shalt  }
0x56: {  	_ =	shalt  }
0x57: {  	_ =	shalt  }
0x58: {  	_ =	shalt  }
0x59: {  	_ =	shalt  }
0x5a: {  	_ =	shalt  }
0x5b: {  	_ =	shalt  }
0x5c: {  	_ =	shalt  }
0x5d: {  	_ =	shalt  }
0x5e: {  	_ =	shalt  }
0x5f: {  	_ =	shalt  }
0x60: {  	_ =	shalt  }
0x61: {  	_ =	shalt  }
0x62: {  	_ =	shalt  }
0x63: {  	_ =	shalt  }
0x64: {  	_ =	shalt  }
0x65: {  	_ =	shalt  }
0x66: {  	_ =	shalt  }
0x67: {  	_ =	shalt  }
0x68: {  	_ =	shalt  }
0x69: {  	_ =	shalt  }
0x6a: {  	_ =	shalt  }
0x6b: {  	_ =	shalt  }
0x6c: {  	_ =	shalt  }
0x6d: {  	_ =	shalt  }
0x6e: {  	_ =	shalt  }
0x6f: {  	_ =	shalt  }
0x70: {  	_ =	shalt  }
0x71: {  	_ =	shalt  }
0x72: {  	_ =	shalt  }
0x73: {  	_ =	shalt  }
0x74: {  	_ =	shalt  }
0x75: {  	_ =	shalt  }
0x76: {  	_ =	shalt  }
0x77: {  	_ =	shalt  }
0x78: {  	_ =	shalt  }
0x79: {  	_ =	shalt  }
0x7a: {  	_ =	shalt  }
0x7b: {  	_ =	shalt  }
0x7c: {  	_ =	shalt  }
0x7d: {  	_ =	shalt  }
0x7e: {  	_ =	shalt  }
0x7f: {  	_ =	shalt  }
0x80: {  	_ =	shalt  }
0x81: {  	_ =	shalt  }
0x82: {  	_ =	shalt  }
0x83: {  	_ =	shalt  }
0x84: {  	_ =	shalt  }
0x85: {  	_ =	shalt  }
0x86: {  	_ =	shalt  }
0x87: {  	_ =	shalt  }
.Lfunc_end0:
.L_simem_size_0:
called_computation_lowered:
.L_overlay_start_0:
0x88: {  	s2 =	sld [smem:$0x3FD9]  }
0x89: {  	s3 =	sld [smem:$0x3FFE];
	_ =	sdelay $0x1  }
0x8a: {  	s1 =	srdreg.scid  }
0x8b: {  	s0 =	sand.u32 $0x1, s1  }
0x8c: {  	s17 =	sshll.u32 s0, $0xA;
	s2 =	sadd.s32 s3, s2  }
0x8d: {  	s2 =	sadd.s32 s2, s17  }
0x8e: {  	[smem:$0x3FC1] =	sst s2  }
0x8f: {  	_ = 	snop  }
0x90: {  	s2 =	sld [smem:$0x3FC9]  }
0x91: {  	s18 =	sld [smem:$0x3FD0];
	(tm) =	ssettm $0x1  }
0x92: {  	s4 =	sld [smem:$0x3FFB];
	_ =	sdelay $0x3  }
0x93: {  	_ =	strace s4  }
0x94: {  	s4 =	sld [smem:$0x3FFC];
	_ =	sdelay $0x3  }
0x95: {  	_ =	strace s4  }
0x96: {  	s4 =	sld [smem:$0x3FFD];
	_ =	sdelay $0x3  }
0x97: {  	_ =	strace s4  }
0x98: {  	_ =	strace $0x8FFFFFFF  }
0x99: {  	s19 =	sld [smem:$0x3FDB];
	_ =	sdelay $0x1  }
0x9a: {  	s5 =	simm.s32 $_scs_section_size  }
0x9b: {  	s6 =	simm.s32 $_size__tile_overlayer_lowered;
	s7 =	simm.s32 $_tile_overlayer_lowered  }
0x9c: {  	s22 =	simm.s32 $0x1BFF;
	s21 =	sshll.u32 s7, $0x1;
	s4 =	sadd.s32 s5, s19  }
0x9d: {  	s8 =	simm.s32 $0x0;
	s20 =	sshll.u32 s6, $0x1;
	s6 =	sadd.s32 s21, s4  }
0x9e: {  	[timem:s8], [sflag:s22] =	dma.local [hbm:s6], s20  }
0x9f: {  	_ =	swait.ge [sflag:s22], s20  }
0xa0: {  	s5 =	ssub.s32 $0x0, s20;
	[sflag:s22] =	ssyncset.done $0x0  }
0xa1: {  	[sflag:s22] =	ssyncadd.s32 s5;
	_ =	sdelay $0x1  }
0xa2: {  	s23 =	simm.s32 $0x1B8B  }
0xa3: {  	_ =	swait.ge [sflag:s23], $0x1  }
0xa4: {  	[sflag:s23] =	ssyncset.done $0x0  }
0xa5: {  	s25 =	simm.s32 $0x1B8E;
	s24 =	sld [smem:$0x3FFE];
	[sflag:s23] =	ssyncadd.s32 $0xFFFFFFFF  }
0xa6: {  	s26 =	simm.s32 $execute0_lowered;
	[smem:$0x3FD2] =	sst s25  }
0xa7: {  	s6 =	sshll.u32 s26, $0x1;
	_ =	strace $0x80000046;
	[dreg:$0x1] =	wrdreg $0xFFFFFFFF  }
0xa8: {  	s28 =	simm.s32 $_size_execute0_lowered;
	s4 =	sadd.s32 s4, s6;
	[dreg:$0x0] =	wrdreg $0x0  }
0xa9: {  	s6 =	sshll.u32 s28, $0x1;
	[dreg:$0x2] =	wrdreg s4  }
0xaa: {  	[dreg:$0x3] =	wrdreg s6  }
0xab: {  	[dreg:$0x4] =	wrdreg $0xC0  }
0xac: {  	_ =	task [dreg:s8], $0x5FFFF  }
0xad: {  	[dreg:$0x1] =	wrdreg $0xFFFFFFFF  }
0xae: {  	[dreg:$0x0] =	wrdreg $0x60  }
0xaf: {  	[dreg:$0x2] =	wrdreg s2  }
0xb0: {  	[dreg:$0x3] =	wrdreg s18  }
0xb1: {  	[dreg:$0x4] =	wrdreg s24  }
0xb2: {  	[dreg:$0x5] =	wrdreg $0x9  }
0xb3: {  	_ =	task.clear_ibuf [dreg:s8], $0x6FFFF;
	_ =	strace $0x90000046  }
0xb4: {  	s29 =	simm.s32 $0x9;
	_ =	strace $0x80000048  }
0xb5: {  	_ =	swait.ge [sflag:s29], $0x1  }
0xb6: {  	[sflag:s29] =	ssyncadd.s32 $0xFFFFFFFF  }
0xb7: {  	_ =	strace $0x90000048  }
0xb8: {  	_ =	sfence  }
0xb9: {  	s30 =	sld [smem:$0x0];
	_ =	sdelay $0x2  }
0xba: {  	s31 =	sshll.u32 s1, $0xD;
	s1 =	sshrl.u32 s1, $0x2  }
0xbb: {  	s3 =	sand.u32 $0x4000, s31;
	s1 =	sadd.s32 s1, s30  }
0xbc: {  	s0 =	sor.u32 s3, s0;
	s1 =	sshll.u32 s1, $0x11  }
0xbd: {  	s0 =	sor.u32 s1, s0  }
0xbe: {  	s0 =	sadd.s32 $0x8F2B, s0  }
0xbf: {  	[sflag:s0] =	ssyncadd.remote.s32 $0x1  }
0xc0: {  	_ =	sfence.sel $0xFFFF  }
0xc1: {  	[dreg:$0x0] =	wrdreg $0xFFFFFFFF;
	(pc) =	sbr.abs _section_cstart, $3  }
0xc2: {  	[dreg:$0x1] =	wrdreg $0xFFFFFFFF  }
0xc3: {  	_ =	task.clear_ibuf [dreg:s8], $0x2FFFF;
	_ =	strace $0x9FFFFFFF  }
0xc4: {  	(tm) =	ssettm $0x7FFFFFFF  }
0xc5: {  	_ =	shalt  }
tec
execute0_lowered:
.L_overlay_start_1:
0x0: {  	(tag) =	ssettag $0x1  }
0x1: {  	s0 =	rddreg [dreg:$0x0]  }
0x2: {  	s1 =	rddreg [dreg:$0x1]  }
0x3: {  	s6 =	rddreg [dreg:$0x2]  }
0x4: {  	s3 =	srdreg.scid;
	s5 =	stileid.u32  }
0x5: {  	s2 =	simm.s32 $0x0;
	s9 =	simm.s32 $0x2;
	s26 =	simm.s32 $0x80  }
0x6: {  	s28 =	simm.s32 $0x4900;
	s29 =	simm.s32 $0x5100;
	s30 =	simm.s32 $0x5900  }
0x7: {  	s31 =	simm.s32 $0x6100;
	s10 =	simm.s32 $0x7900;
	s11 =	simm.s32 $0x8100  }
0x8: {  	s12 =	simm.s32 $0x8900;
	s13 =	simm.s32 $0x9100;
	s14 =	simm.s32 $0x9900  }
0x9: {  	s15 =	simm.s32 $0xA100;
	s16 =	simm.s32 $0xA900;
	s17 =	simm.s32 $0xB100  }
0xa: {  	s4 =	sand.u32 $0x1, s3;
	s21 =	sshll.u32 s5, $0x1;
	[smem:$0x7FF] =	sst s2  }
0xb: {  	s5 =	sadd.s32 $0xA00, s6;
	s3 =	sor.u32 s4, s21;
	_ =	strace $0x80000047  }
0xc: {  	s4 =	ssub.s32 $0x2, s4;
	[dreg:$0x7] =	wrdreg s26;
	s21 =	simm.s32 $0x1900  }
0xd: {  	s26 =	simm.s32 $0x4100;
	s22 =	sshll.u32 s3, $0x4;
	s7 =	sshll.u32 s3, $0xD  }
0xe: {  	s3 =	sadd.s32 $0x800, s6;
	s24 =	sshrl.u32 s4, $0x1;
	s8 =	sadd.s32 s22, s6  }
0xf: {  	s0 =	sadd.s32 s0, s7;
	s23 =	sadd.s32 s1, s22;
	s1 =	ssub.s32 s4, s24  }
0x10: {  	s4 =	sadd.s32 $0x900, s6;
	s6 =	sadd.s32 $0xB00, s6;
	[dreg:$0x4] =	wrdreg s0  }
0x11: {  	v2 =	vlaneseq.u32;
	s22 =	simm.s32 $0x2100;
	s24 =	simm.s32 $0x3100;
	[dreg:$0x5] =	wrdreg s23  }
0x12: {  	vm0 =	vmmov $0xffff;
	v1 =	vshrl.u32 v2, $0x3;
	s25 =	sadd.s32 $0x600, s8;
	s7 =	smax.u32 s1, $0x1;
	s23 =	simm.s32 $0x2900  }
0x13: {  	v0 =	vand.u32 $0x7, v2;
	v2 =	vor.u32 $0x8, v2;
	v1 =	vmul.u32 $0x8, v1;
	s8 =	simm.s32 $0xB900;
	[dreg:$0x6] =	wrdreg s25;
	s25 =	simm.s32 $0x3900  }
.LBB2_1:
0x14: {  	s19 =	rddreg [dreg:$0x4];
	s18 =	simm.s32 $0x100  }
0x15: {  	[tilespmem:s18], [sflag:$0x2] =	stream.linear.gather [hbm4b:s19+s2], $0x10000, $0x38;
	[tilespmem:$0x10100] =	vst v63  }
0x16: {  	_ =	swait.ge [sflag:s9], $0x10000  }
0x17: {  	[sflag:s9] =	ssyncset.done $0x0  }
0x18: {  	s0 =	rddreg [dreg:$0x5];
	[sflag:s9] =	ssyncadd.s32 $0xFFFF0000  }
0x19: {  	[tilespmem:s2], [sflag:$0x2] =	stream.linear.gather [hbm4b:s0+s2], $0x80, $0x38;
	[tilespmem:$0x10100] =	vst v63  }
0x1a: {  	_ =	swait.ge [sflag:s9], $0x80  }
0x1b: {  	s1 =	rddreg [dreg:$0x6];
	[sflag:s9] =	ssyncset.done $0x0  }
0x1c: {  	s20 =	rddreg [dreg:$0x7];
	[sflag:s9] =	ssyncadd.s32 $0xFFFFFF80  }
0x1d: {  	[tilespmem:s20], [sflag:$0x2] =	stream.linear.gather [hbm4b:s1+s2], $0x80, $0x38;
	[tilespmem:$0x10100] =	vst v63  }
0x1e: {  	_ =	swait.ge [sflag:s9], $0x80  }
0x1f: {  	[sflag:s9] =	ssyncset.done $0x0  }
0x20: {  	[sflag:s9] =	ssyncadd.s32 $0xFFFFFF80  }
0x21: {  	v3 =	vld [tilespmem:$0x0];
	_ =	sdelay $0x4  }
0x22: {  	v4 =	vshll.u32 v3, $0x3  }
0x23: {  	v3 =	vand.u32 $0x7, v3;
	v4 =	vand.u32 $0xFFFFFFC0, v4  }
0x24: {  	v3 =	vor.u32 v3, v4  }
0x25: {  	v4 =	vperm.xlane v3, v0;
	_ =	sdelay $0x1  }
0x26: {  	v4 =	vadd.s32 v1, v4;
	_ =	sdelay $0x4  }
0x27: {  	[hbm4b:s3+s2] =	stream.indirect_vreg.scatter [tilespmem:s18], [sflag:$0x1], $0x80, v4, vm0, $0xb8;
	[tilespmem:$0x10100] =	vst v63  }
0x28: {  	s19 =	simm.s32 $0x900;
	v3 =	vperm.xlane v3, v2  }
0x29: {  	[hbm4b:s4+s2] =	stream.indirect_vreg.scatter [tilespmem:s19], [sflag:$0x1], $0x80, v4, vm0, $0xb8;
	[tilespmem:$0x10100] =	vst v63  }
0x2a: {  	s20 =	simm.s32 $0x1100;
	v3 =	vadd.s32 v1, v3  }
0x2b: {  	[hbm4b:s5+s2] =	stream.indirect_vreg.scatter [tilespmem:s20], [sflag:$0x1], $0x80, v4, vm0, $0xb8;
	[tilespmem:$0x10100] =	vst v63  }
0x2c: {  	_ = 	snop  }
0x2d: {  	[hbm4b:s6+s2] =	stream.indirect_vreg.scatter [tilespmem:s21], [sflag:$0x1], $0x80, v4, vm0, $0xb8;
	[tilespmem:$0x10100] =	vst v63  }
0x2e: {  	_ = 	snop  }
0x2f: {  	[hbm4b:s3+s2] =	stream.indirect_vreg.scatter [tilespmem:s22], [sflag:$0x1], $0x80, v3, vm0, $0xb8;
	[tilespmem:$0x10100] =	vst v63  }
0x30: {  	_ = 	snop  }
0x31: {  	[hbm4b:s4+s2] =	stream.indirect_vreg.scatter [tilespmem:s23], [sflag:$0x1], $0x80, v3, vm0, $0xb8;
	[tilespmem:$0x10100] =	vst v63  }
0x32: {  	_ = 	snop  }
0x33: {  	[hbm4b:s5+s2] =	stream.indirect_vreg.scatter [tilespmem:s24], [sflag:$0x1], $0x80, v3, vm0, $0xb8;
	[tilespmem:$0x10100] =	vst v63  }
0x34: {  	_ = 	snop  }
0x35: {  	[hbm4b:s6+s2] =	stream.indirect_vreg.scatter [tilespmem:s25], [sflag:$0x1], $0x80, v3, vm0, $0xb8;
	[tilespmem:$0x10100] =	vst v63  }
0x36: {  	v3 =	vld [tilespmem:$0x10];
	_ =	sdelay $0x4  }
0x37: {  	v57 =	vshll.u32 v3, $0x3  }
0x38: {  	v3 =	vand.u32 $0x7, v3;
	v4 =	vand.u32 $0xFFFFFFC0, v57  }
0x39: {  	v3 =	vor.u32 v3, v4  }
0x3a: {  	v4 =	vperm.xlane v3, v0;
	_ =	sdelay $0x1  }
0x3b: {  	v4 =	vadd.s32 v1, v4;
	_ =	sdelay $0x4  }
0x3c: {  	[hbm4b:s3+s2] =	stream.indirect_vreg.scatter [tilespmem:s26], [sflag:$0x1], $0x80, v4, vm0, $0xb8;
	[tilespmem:$0x10100] =	vst v63  }
0x3d: {  	v3 =	vperm.xlane v3, v2  }
0x3e: {  	[hbm4b:s4+s2] =	stream.indirect_vreg.scatter [tilespmem:s28], [sflag:$0x1], $0x80, v4, vm0, $0xb8;
	[tilespmem:$0x10100] =	vst v63  }
0x3f: {  	v3 =	vadd.s32 v1, v3  }
0x40: {  	[hbm4b:s5+s2] =	stream.indirect_vreg.scatter [tilespmem:s29], [sflag:$0x1], $0x80, v4, vm0, $0xb8;
	[tilespmem:$0x10100] =	vst v63  }
0x41: {  	_ = 	snop  }
0x42: {  	[hbm4b:s6+s2] =	stream.indirect_vreg.scatter [tilespmem:s30], [sflag:$0x1], $0x80, v4, vm0, $0xb8;
	[tilespmem:$0x10100] =	vst v63  }
0x43: {  	_ = 	snop  }
0x44: {  	[hbm4b:s3+s2] =	stream.indirect_vreg.scatter [tilespmem:s31], [sflag:$0x1], $0x80, v3, vm0, $0xb8;
	[tilespmem:$0x10100] =	vst v63  }
0x45: {  	s0 =	simm.s32 $0x6900  }
0x46: {  	[hbm4b:s4+s2] =	stream.indirect_vreg.scatter [tilespmem:s0], [sflag:$0x1], $0x80, v3, vm0, $0xb8;
	[tilespmem:$0x10100] =	vst v63  }
0x47: {  	s1 =	simm.s32 $0x7100  }
0x48: {  	[hbm4b:s5+s2] =	stream.indirect_vreg.scatter [tilespmem:s1], [sflag:$0x1], $0x80, v3, vm0, $0xb8;
	[tilespmem:$0x10100] =	vst v63  }
0x49: {  	_ = 	snop  }
0x4a: {  	[hbm4b:s6+s2] =	stream.indirect_vreg.scatter [tilespmem:s10], [sflag:$0x1], $0x80, v3, vm0, $0xb8;
	[tilespmem:$0x10100] =	vst v63  }
0x4b: {  	v3 =	vld [tilespmem:$0x20];
	_ =	sdelay $0x4  }
0x4c: {  	v58 =	vshll.u32 v3, $0x3  }
0x4d: {  	v3 =	vand.u32 $0x7, v3;
	v4 =	vand.u32 $0xFFFFFFC0, v58  }
0x4e: {  	v3 =	vor.u32 v3, v4  }
0x4f: {  	v4 =	vperm.xlane v3, v0;
	_ =	sdelay $0x1  }
0x50: {  	v4 =	vadd.s32 v1, v4;
	_ =	sdelay $0x4  }
0x51: {  	[hbm4b:s3+s2] =	stream.indirect_vreg.scatter [tilespmem:s11], [sflag:$0x1], $0x80, v4, vm0, $0xb8;
	[tilespmem:$0x10100] =	vst v63  }
0x52: {  	v3 =	vperm.xlane v3, v2  }
0x53: {  	[hbm4b:s4+s2] =	stream.indirect_vreg.scatter [tilespmem:s12], [sflag:$0x1], $0x80, v4, vm0, $0xb8;
	[tilespmem:$0x10100] =	vst v63  }
0x54: {  	v3 =	vadd.s32 v1, v3  }
0x55: {  	[hbm4b:s5+s2] =	stream.indirect_vreg.scatter [tilespmem:s13], [sflag:$0x1], $0x80, v4, vm0, $0xb8;
	[tilespmem:$0x10100] =	vst v63  }
0x56: {  	_ = 	snop  }
0x57: {  	[hbm4b:s6+s2] =	stream.indirect_vreg.scatter [tilespmem:s14], [sflag:$0x1], $0x80, v4, vm0, $0xb8;
	[tilespmem:$0x10100] =	vst v63  }
0x58: {  	_ = 	snop  }
0x59: {  	[hbm4b:s3+s2] =	stream.indirect_vreg.scatter [tilespmem:s15], [sflag:$0x1], $0x80, v3, vm0, $0xb8;
	[tilespmem:$0x10100] =	vst v63  }
0x5a: {  	_ = 	snop  }
0x5b: {  	[hbm4b:s4+s2] =	stream.indirect_vreg.scatter [tilespmem:s16], [sflag:$0x1], $0x80, v3, vm0, $0xb8;
	[tilespmem:$0x10100] =	vst v63  }
0x5c: {  	_ = 	snop  }
0x5d: {  	[hbm4b:s5+s2] =	stream.indirect_vreg.scatter [tilespmem:s17], [sflag:$0x1], $0x80, v3, vm0, $0xb8;
	[tilespmem:$0x10100] =	vst v63  }
0x5e: {  	_ = 	snop  }
0x5f: {  	[hbm4b:s6+s2] =	stream.indirect_vreg.scatter [tilespmem:s8], [sflag:$0x1], $0x80, v3, vm0, $0xb8;
	[tilespmem:$0x10100] =	vst v63  }
0x60: {  	v3 =	vld [tilespmem:$0x30];
	_ =	sdelay $0x4  }
0x61: {  	v59 =	vshll.u32 v3, $0x3  }
0x62: {  	v3 =	vand.u32 $0x7, v3;
	v4 =	vand.u32 $0xFFFFFFC0, v59  }
0x63: {  	v3 =	vor.u32 v3, v4  }
0x64: {  	v4 =	vperm.xlane v3, v0;
	_ =	sdelay $0x1  }
0x65: {  	v4 =	vadd.s32 v1, v4;
	_ =	sdelay $0x3  }
0x66: {  	s0 =	simm.s32 $0xC100  }
0x67: {  	[hbm4b:s3+s2] =	stream.indirect_vreg.scatter [tilespmem:s0], [sflag:$0x1], $0x80, v4, vm0, $0xb8;
	[tilespmem:$0x10100] =	vst v63  }
0x68: {  	v3 =	vperm.xlane v3, v2;
	s0 =	simm.s32 $0xC900  }
0x69: {  	[hbm4b:s4+s2] =	stream.indirect_vreg.scatter [tilespmem:s0], [sflag:$0x1], $0x80, v4, vm0, $0xb8;
	[tilespmem:$0x10100] =	vst v63  }
0x6a: {  	v3 =	vadd.s32 v1, v3;
	s0 =	simm.s32 $0xD100  }
0x6b: {  	[hbm4b:s5+s2] =	stream.indirect_vreg.scatter [tilespmem:s0], [sflag:$0x1], $0x80, v4, vm0, $0xb8;
	[tilespmem:$0x10100] =	vst v63  }
0x6c: {  	s0 =	simm.s32 $0xD900  }
0x6d: {  	[hbm4b:s6+s2] =	stream.indirect_vreg.scatter [tilespmem:s0], [sflag:$0x1], $0x80, v4, vm0, $0xb8;
	[tilespmem:$0x10100] =	vst v63  }
0x6e: {  	s0 =	simm.s32 $0xE100  }
0x6f: {  	[hbm4b:s3+s2] =	stream.indirect_vreg.scatter [tilespmem:s0], [sflag:$0x1], $0x80, v3, vm0, $0xb8;
	[tilespmem:$0x10100] =	vst v63  }
0x70: {  	s0 =	simm.s32 $0xE900  }
0x71: {  	[hbm4b:s4+s2] =	stream.indirect_vreg.scatter [tilespmem:s0], [sflag:$0x1], $0x80, v3, vm0, $0xb8;
	[tilespmem:$0x10100] =	vst v63  }
0x72: {  	s0 =	simm.s32 $0xF100  }
0x73: {  	[hbm4b:s5+s2] =	stream.indirect_vreg.scatter [tilespmem:s0], [sflag:$0x1], $0x80, v3, vm0, $0xb8;
	[tilespmem:$0x10100] =	vst v63  }
0x74: {  	s0 =	simm.s32 $0xF900  }
0x75: {  	[hbm4b:s6+s2] =	stream.indirect_vreg.scatter [tilespmem:s0], [sflag:$0x1], $0x80, v3, vm0, $0xb8;
	[tilespmem:$0x10100] =	vst v63  }
0x76: {  	v3 =	vld [tilespmem:$0x80];
	_ =	sdelay $0x4  }
0x77: {  	v60 =	vshll.u32 v3, $0x3  }
0x78: {  	v3 =	vand.u32 $0x7, v3;
	v4 =	vand.u32 $0xFFFFFFC0, v60  }
0x79: {  	v3 =	vor.u32 v3, v4  }
0x7a: {  	v4 =	vperm.xlane v3, v0;
	_ =	sdelay $0x1  }
0x7b: {  	v4 =	vadd.s32 v1, v4;
	_ =	sdelay $0x4  }
0x7c: {  	[hbm4b:s3+s2] =	stream.indirect_vreg.scatter [tilespmem:s18], [sflag:$0x1], $0x80, v4, vm0, $0xb8;
	[tilespmem:$0x10100] =	vst v63  }
0x7d: {  	v3 =	vperm.xlane v3, v2  }
0x7e: {  	[hbm4b:s4+s2] =	stream.indirect_vreg.scatter [tilespmem:s19], [sflag:$0x1], $0x80, v4, vm0, $0xb8;
	[tilespmem:$0x10100] =	vst v63  }
0x7f: {  	v3 =	vadd.s32 v1, v3  }
0x80: {  	[hbm4b:s5+s2] =	stream.indirect_vreg.scatter [tilespmem:s20], [sflag:$0x1], $0x80, v4, vm0, $0xb8;
	[tilespmem:$0x10100] =	vst v63  }
0x81: {  	_ = 	snop  }
0x82: {  	[hbm4b:s6+s2] =	stream.indirect_vreg.scatter [tilespmem:s21], [sflag:$0x1], $0x80, v4, vm0, $0xb8;
	[tilespmem:$0x10100] =	vst v63  }
0x83: {  	_ = 	snop  }
0x84: {  	[hbm4b:s3+s2] =	stream.indirect_vreg.scatter [tilespmem:s22], [sflag:$0x1], $0x80, v3, vm0, $0xb8;
	[tilespmem:$0x10100] =	vst v63  }
0x85: {  	_ = 	snop  }
0x86: {  	[hbm4b:s4+s2] =	stream.indirect_vreg.scatter [tilespmem:s23], [sflag:$0x1], $0x80, v3, vm0, $0xb8;
	[tilespmem:$0x10100] =	vst v63  }
0x87: {  	_ = 	snop  }
0x88: {  	[hbm4b:s5+s2] =	stream.indirect_vreg.scatter [tilespmem:s24], [sflag:$0x1], $0x80, v3, vm0, $0xb8;
	[tilespmem:$0x10100] =	vst v63  }
0x89: {  	_ = 	snop  }
0x8a: {  	[hbm4b:s6+s2] =	stream.indirect_vreg.scatter [tilespmem:s25], [sflag:$0x1], $0x80, v3, vm0, $0xb8;
	[tilespmem:$0x10100] =	vst v63  }
0x8b: {  	v3 =	vld [tilespmem:$0x90];
	_ =	sdelay $0x4  }
0x8c: {  	v61 =	vshll.u32 v3, $0x3  }
0x8d: {  	v3 =	vand.u32 $0x7, v3;
	v4 =	vand.u32 $0xFFFFFFC0, v61  }
0x8e: {  	v3 =	vor.u32 v3, v4  }
0x8f: {  	v4 =	vperm.xlane v3, v0;
	_ =	sdelay $0x1  }
0x90: {  	v4 =	vadd.s32 v1, v4;
	_ =	sdelay $0x4  }
0x91: {  	[hbm4b:s3+s2] =	stream.indirect_vreg.scatter [tilespmem:s26], [sflag:$0x1], $0x80, v4, vm0, $0xb8;
	[tilespmem:$0x10100] =	vst v63  }
0x92: {  	v3 =	vperm.xlane v3, v2  }
0x93: {  	[hbm4b:s4+s2] =	stream.indirect_vreg.scatter [tilespmem:s28], [sflag:$0x1], $0x80, v4, vm0, $0xb8;
	[tilespmem:$0x10100] =	vst v63  }
0x94: {  	v3 =	vadd.s32 v1, v3  }
0x95: {  	[hbm4b:s5+s2] =	stream.indirect_vreg.scatter [tilespmem:s29], [sflag:$0x1], $0x80, v4, vm0, $0xb8;
	[tilespmem:$0x10100] =	vst v63  }
0x96: {  	_ = 	snop  }
0x97: {  	[hbm4b:s6+s2] =	stream.indirect_vreg.scatter [tilespmem:s30], [sflag:$0x1], $0x80, v4, vm0, $0xb8;
	[tilespmem:$0x10100] =	vst v63  }
0x98: {  	_ = 	snop  }
0x99: {  	[hbm4b:s3+s2] =	stream.indirect_vreg.scatter [tilespmem:s31], [sflag:$0x1], $0x80, v3, vm0, $0xb8;
	[tilespmem:$0x10100] =	vst v63  }
0x9a: {  	s20 =	simm.s32 $0x6900  }
0x9b: {  	[hbm4b:s4+s2] =	stream.indirect_vreg.scatter [tilespmem:s20], [sflag:$0x1], $0x80, v3, vm0, $0xb8;
	[tilespmem:$0x10100] =	vst v63  }
0x9c: {  	_ = 	snop  }
0x9d: {  	[hbm4b:s5+s2] =	stream.indirect_vreg.scatter [tilespmem:s1], [sflag:$0x1], $0x80, v3, vm0, $0xb8;
	[tilespmem:$0x10100] =	vst v63  }
0x9e: {  	_ = 	snop  }
0x9f: {  	[hbm4b:s6+s2] =	stream.indirect_vreg.scatter [tilespmem:s10], [sflag:$0x1], $0x80, v3, vm0, $0xb8;
	[tilespmem:$0x10100] =	vst v63  }
0xa0: {  	v3 =	vld [tilespmem:$0xA0];
	_ =	sdelay $0x4  }
0xa1: {  	v62 =	vshll.u32 v3, $0x3  }
0xa2: {  	v3 =	vand.u32 $0x7, v3;
	v4 =	vand.u32 $0xFFFFFFC0, v62  }
0xa3: {  	v3 =	vor.u32 v3, v4  }
0xa4: {  	v4 =	vperm.xlane v3, v0;
	_ =	sdelay $0x1  }
0xa5: {  	v4 =	vadd.s32 v1, v4;
	_ =	sdelay $0x4  }
0xa6: {  	[hbm4b:s3+s2] =	stream.indirect_vreg.scatter [tilespmem:s11], [sflag:$0x1], $0x80, v4, vm0, $0xb8;
	[tilespmem:$0x10100] =	vst v63  }
0xa7: {  	v3 =	vperm.xlane v3, v2  }
0xa8: {  	[hbm4b:s4+s2] =	stream.indirect_vreg.scatter [tilespmem:s12], [sflag:$0x1], $0x80, v4, vm0, $0xb8;
	[tilespmem:$0x10100] =	vst v63  }
0xa9: {  	v3 =	vadd.s32 v1, v3  }
0xaa: {  	[hbm4b:s5+s2] =	stream.indirect_vreg.scatter [tilespmem:s13], [sflag:$0x1], $0x80, v4, vm0, $0xb8;
	[tilespmem:$0x10100] =	vst v63  }
0xab: {  	_ = 	snop  }
0xac: {  	[hbm4b:s6+s2] =	stream.indirect_vreg.scatter [tilespmem:s14], [sflag:$0x1], $0x80, v4, vm0, $0xb8;
	[tilespmem:$0x10100] =	vst v63  }
0xad: {  	_ = 	snop  }
0xae: {  	[hbm4b:s3+s2] =	stream.indirect_vreg.scatter [tilespmem:s15], [sflag:$0x1], $0x80, v3, vm0, $0xb8;
	[tilespmem:$0x10100] =	vst v63  }
0xaf: {  	_ = 	snop  }
0xb0: {  	[hbm4b:s4+s2] =	stream.indirect_vreg.scatter [tilespmem:s16], [sflag:$0x1], $0x80, v3, vm0, $0xb8;
	[tilespmem:$0x10100] =	vst v63  }
0xb1: {  	_ = 	snop  }
0xb2: {  	[hbm4b:s5+s2] =	stream.indirect_vreg.scatter [tilespmem:s17], [sflag:$0x1], $0x80, v3, vm0, $0xb8;
	[tilespmem:$0x10100] =	vst v63  }
0xb3: {  	_ = 	snop  }
0xb4: {  	[hbm4b:s6+s2] =	stream.indirect_vreg.scatter [tilespmem:s8], [sflag:$0x1], $0x80, v3, vm0, $0xb8;
	[tilespmem:$0x10100] =	vst v63  }
0xb5: {  	v3 =	vld [tilespmem:$0xB0];
	_ =	sdelay $0x4  }
0xb6: {  	v63 =	vshll.u32 v3, $0x3  }
0xb7: {  	v3 =	vand.u32 $0x7, v3;
	v4 =	vand.u32 $0xFFFFFFC0, v63  }
0xb8: {  	v3 =	vor.u32 v3, v4  }
0xb9: {  	v4 =	vperm.xlane v3, v0;
	_ =	sdelay $0x1  }
0xba: {  	v4 =	vadd.s32 v1, v4;
	_ =	sdelay $0x3  }
0xbb: {  	s19 =	simm.s32 $0xC100  }
0xbc: {  	[hbm4b:s3+s2] =	stream.indirect_vreg.scatter [tilespmem:s19], [sflag:$0x1], $0x80, v4, vm0, $0xb8;
	[tilespmem:$0x10100] =	vst v63  }
0xbd: {  	s20 =	simm.s32 $0xC900;
	v3 =	vperm.xlane v3, v2  }
0xbe: {  	[hbm4b:s4+s2] =	stream.indirect_vreg.scatter [tilespmem:s20], [sflag:$0x1], $0x80, v4, vm0, $0xb8;
	[tilespmem:$0x10100] =	vst v63  }
0xbf: {  	s18 =	simm.s32 $0xD100;
	v3 =	vadd.s32 v1, v3  }
0xc0: {  	[hbm4b:s5+s2] =	stream.indirect_vreg.scatter [tilespmem:s18], [sflag:$0x1], $0x80, v4, vm0, $0xb8;
	[tilespmem:$0x10100] =	vst v63  }
0xc1: {  	s19 =	simm.s32 $0xD900  }
0xc2: {  	[hbm4b:s6+s2] =	stream.indirect_vreg.scatter [tilespmem:s19], [sflag:$0x1], $0x80, v4, vm0, $0xb8;
	[tilespmem:$0x10100] =	vst v63  }
0xc3: {  	s20 =	simm.s32 $0xE100  }
0xc4: {  	[hbm4b:s3+s2] =	stream.indirect_vreg.scatter [tilespmem:s20], [sflag:$0x1], $0x80, v3, vm0, $0xb8;
	[tilespmem:$0x10100] =	vst v63  }
0xc5: {  	s18 =	simm.s32 $0xE900  }
0xc6: {  	[hbm4b:s4+s2] =	stream.indirect_vreg.scatter [tilespmem:s18], [sflag:$0x1], $0x80, v3, vm0, $0xb8;
	[tilespmem:$0x10100] =	vst v63  }
0xc7: {  	s19 =	simm.s32 $0xF100  }
0xc8: {  	[hbm4b:s5+s2] =	stream.indirect_vreg.scatter [tilespmem:s19], [sflag:$0x1], $0x80, v3, vm0, $0xb8;
	[tilespmem:$0x10100] =	vst v63  }
0xc9: {  	s20 =	simm.s32 $0x1  }
0xca: {  	[hbm4b:s6+s2] =	stream.indirect_vreg.scatter [tilespmem:s0], [sflag:$0x1], $0x80, v3, vm0, $0xb8;
	[tilespmem:$0x10100] =	vst v63  }
0xcb: {  	p0 =	sne.s32 s7, $0x1;
	_ =	swait.ge [sflag:s20], $0x10000  }
.Ltmp0:
0xcc: {  	[sflag:s20] =	ssyncset.done $0x0;
	(pc) =	sbr.rel @p0 .LBB2_1-.Ltmp0, $4  }
0xcd: {  	[sflag:s20] =	ssyncadd.s32 $0xFFFF0000  }
0xce: {  	_ =	swait.ge [sflag:s20], $0x10000  }
0xcf: {  	[sflag:s20] =	ssyncset.done $0x0  }
0xd0: {  	s7 =	sadd.s32 $0xFFFFFFFF, s7;
	[sflag:s20] =	ssyncadd.s32 $0xFFFF0000  }
0xd1: {  	_ =	sfence.sel $0x180000  }
0xd2: {  	[bflag:$0x0] =	sbarrier.arrive $0xFFFF  }
0xd3: {  	_ =	strace $0x90000047  }
0xd4: {  	s0 =	stileid.u32;
	[bflag:$0x2] =	sbarrier.arrive $0xFFFF  }
0xd5: {  	p0 =	sne.s32 s0, $0x0;
	s0 =	rddreg [dreg:$0x3]  }
0xd6: {  	s0 =	sadd.s32 @!p0 $0x100000, s0  }
0xd7: {  	[sflag:s0] =	ssyncadd.tile.s32 @!p0 $0x1;
	_ =	shalt  }
.Lfunc_end2:
_tile_overlayer_lowered:
.L_overlay_start_2:
0xd8: {  	(tag) =	ssettag $0x2  }
0xd9: {  	s0 =	rddreg [dreg:$0x0];
	s2 =	stileid.u32  }
0xda: {  	s1 =	rddreg [dreg:$0x1];
	p0 =	sne.s32 s2, $0x0  }
0xdb: {  	s3 =	rddreg [dreg:$0x2];
	[bflag:$0x3] =	sbarrier.arrive $0xFFFF;
	s2 =	simm.s32 @!p0 $0x1C02  }
0xdc: {  	[timem:s3], [sflag:s2] =	dma.local @!p0 [hbm:s0], s1  }
0xdd: {  	s0 =	simm.s32 @!p0 $0x2  }
0xde: {  	_ =	swait.ge @!p0 [sflag:s0], s1  }
0xdf: {  	s1 =	ssub.s32 @!p0 $0x0, s1;
	[sflag:s0] =	ssyncset.done @!p0 $0x0  }
0xe0: {  	[sflag:s0] =	ssyncadd.s32 @!p0 s1  }
0xe1: {  	[bflag:$0x3] =	sbarrier.arrive $0xFFFF  }
0xe2: {  	_ =	shalt  }

</sc_bundles>
